<compile_context>
chip_gen: v7x
topology: tpu7x:2x2x1
jax: 0.10.2.dev20260603
libtpu: 0.0.44.dev20260713+nightly
codegen_flags: <defaults>
</compile_context>

<pallas_src>
import functools

import jax
import jax.numpy as jnp
from jax import lax
from jax.experimental import pallas as pl
from jax.experimental.pallas import tpu as pltpu
from jax.experimental.pallas import tpu_sc as plsc

_N = 10000
_E = 320000
_D = 128
_DH = 64
_NCLASS = 16

_NCH = 160
_K = 125
_NPAD = 10112
_ROWS_PER_TILE = _NPAD // 16

_BN = 1000


def _sc_scatter_build():
    mesh = plsc.VectorSubcoreMesh(core_axis_name="c", subcore_axis_name="s")

    @functools.partial(
        pl.kernel,
        out_type=jax.ShapeDtypeStruct((2, _NPAD, _DH), jnp.float32),
        mesh=mesh,
        scratch_types=[
            pltpu.VMEM((_NCH, _K), jnp.int32),
            pltpu.VMEM((_NCH, _K), jnp.int32),
            pltpu.VMEM((_K, _DH), jnp.float32),
            pltpu.VMEM((_ROWS_PER_TILE, _DH), jnp.float32),
            pltpu.VMEM_SHARED((_NPAD, _DH), jnp.float32),
            pltpu.SemaphoreType.DMA,
        ],
        compiler_params=pltpu.CompilerParams(use_tc_tiling_on_sc=False),
    )
    def sc_scatter(m2_hbm, src_hbm, dst_hbm, out_hbm,
                   src_v, dst_v, rows_v, z_v, acc_sh, gsem):
        c = lax.axis_index("c")
        s = lax.axis_index("s")

        pltpu.sync_copy(src_hbm.at[s], src_v)
        pltpu.sync_copy(dst_hbm.at[s], dst_v)

        zero = jnp.zeros((16,), jnp.float32)

        def zrow(r, carry):
            for cc in range(_DH // 16):
                z_v[r, pl.ds(cc * 16, 16)] = zero
            return carry

        lax.fori_loop(0, _ROWS_PER_TILE, zrow, 0)

        row0 = s * _ROWS_PER_TILE
        pltpu.sync_copy(z_v, acc_sh.at[pl.ds(row0, _ROWS_PER_TILE)])
        plsc.subcore_barrier()

        m_ref = m2_hbm.at[c]

        def body(j, carry):
            pltpu.async_copy(m_ref.at[src_v.at[j]], rows_v, gsem).wait()
            pltpu.sync_copy(rows_v, acc_sh.at[dst_v.at[j]], add=True)
            return carry

        lax.fori_loop(0, _NCH, body, 0)

        plsc.subcore_barrier()

        pltpu.sync_copy(acc_sh.at[pl.ds(row0, _ROWS_PER_TILE)],
                        out_hbm.at[c, pl.ds(row0, _ROWS_PER_TILE)])

    return sc_scatter


_sc_scatter = _sc_scatter_build()


def _edge_mm_body(h_ref, W_ref, b_ref, m2_ref):
    m = (
        jnp.dot(h_ref[...], W_ref[...], preferred_element_type=jnp.float32)
        + b_ref[...]
    )
    m2_ref[0] = m[:, :_DH]
    m2_ref[1] = m[:, _DH:]


def _gru(p_ref, h_ref, W_ih_ref, W_hh_ref, b_ih_ref, b_hh_ref):
    a_lo = p_ref[0]
    a_hi = p_ref[1]
    gi = (
        jnp.dot(a_lo, W_ih_ref[...][:_DH, :], preferred_element_type=jnp.float32)
        + jnp.dot(a_hi, W_ih_ref[...][_DH:, :], preferred_element_type=jnp.float32)
        + b_ih_ref[...]
    )
    h = h_ref[...]
    gh = jnp.dot(h, W_hh_ref[...], preferred_element_type=jnp.float32) + b_hh_ref[...]
    r = jax.nn.sigmoid(gi[:, :_D] + gh[:, :_D])
    z = jax.nn.sigmoid(gi[:, _D:2 * _D] + gh[:, _D:2 * _D])
    n = jnp.tanh(gi[:, 2 * _D:] + r * gh[:, 2 * _D:])
    return (1.0 - z) * n + z * h


def _gru_edge_body(p_ref, h_ref, W_ih_ref, W_hh_ref, b_ih_ref, b_hh_ref,
                   W_edge_ref, b_edge_ref, hn_ref, m2_ref):
    hn = _gru(p_ref, h_ref, W_ih_ref, W_hh_ref, b_ih_ref, b_hh_ref)
    hn_ref[...] = hn
    m = (
        jnp.dot(hn, W_edge_ref[...], preferred_element_type=jnp.float32)
        + b_edge_ref[...]
    )
    m2_ref[0] = m[:, :_DH]
    m2_ref[1] = m[:, _DH:]


def _gru_fc_body(p_ref, h_ref, W_ih_ref, W_hh_ref, b_ih_ref, b_hh_ref,
                 W_fc_ref, b_fc_ref, out_ref):
    hn = _gru(p_ref, h_ref, W_ih_ref, W_hh_ref, b_ih_ref, b_hh_ref)
    e = jnp.where(hn > 0, hn, jnp.exp(jnp.minimum(hn, 0.0)) - 1.0)
    out_ref[...] = (
        jnp.dot(e, W_fc_ref[...], preferred_element_type=jnp.float32)
        + b_fc_ref[...]
    )


def _full(shape):
    return pl.BlockSpec(shape, lambda i: tuple(0 for _ in shape))


_GRID = _N // _BN

_edge_mm = pl.pallas_call(
    _edge_mm_body,
    grid=(_GRID,),
    in_specs=[
        pl.BlockSpec((_BN, _D), lambda i: (i, 0)),
        _full((_D, _D)),
        _full((1, _D)),
    ],
    out_specs=pl.BlockSpec((2, _BN, _DH), lambda i: (0, i, 0)),
    out_shape=jax.ShapeDtypeStruct((2, _N, _DH), jnp.float32),
)

_gru_edge = pl.pallas_call(
    _gru_edge_body,
    grid=(_GRID,),
    in_specs=[
        pl.BlockSpec((2, _BN, _DH), lambda i: (0, i, 0)),
        pl.BlockSpec((_BN, _D), lambda i: (i, 0)),
        _full((_D, 3 * _D)),
        _full((_D, 3 * _D)),
        _full((1, 3 * _D)),
        _full((1, 3 * _D)),
        _full((_D, _D)),
        _full((1, _D)),
    ],
    out_specs=[
        pl.BlockSpec((_BN, _D), lambda i: (i, 0)),
        pl.BlockSpec((2, _BN, _DH), lambda i: (0, i, 0)),
    ],
    out_shape=[
        jax.ShapeDtypeStruct((_N, _D), jnp.float32),
        jax.ShapeDtypeStruct((2, _N, _DH), jnp.float32),
    ],
)

_gru_fc = pl.pallas_call(
    _gru_fc_body,
    grid=(_GRID,),
    in_specs=[
        pl.BlockSpec((2, _BN, _DH), lambda i: (0, i, 0)),
        pl.BlockSpec((_BN, _D), lambda i: (i, 0)),
        _full((_D, 3 * _D)),
        _full((_D, 3 * _D)),
        _full((1, 3 * _D)),
        _full((1, 3 * _D)),
        _full((_D, _NCLASS)),
        _full((1, _NCLASS)),
    ],
    out_specs=pl.BlockSpec((_BN, _NCLASS), lambda i: (i, 0)),
    out_shape=jax.ShapeDtypeStruct((_N, _NCLASS), jnp.float32),
)


def kernel(x, edge_index, W_edge, b_edge, W_ih, W_hh, b_ih, b_hh, W_fc, b_fc):
    src = edge_index[0].astype(jnp.int32).reshape(16, _NCH, _K)
    dst = edge_index[1].astype(jnp.int32).reshape(16, _NCH, _K)
    b_edge2 = b_edge.reshape(1, _D)
    b_ih2 = b_ih.reshape(1, 3 * _D)
    b_hh2 = b_hh.reshape(1, 3 * _D)
    b_fc2 = b_fc.reshape(1, _NCLASS)

    m1 = _edge_mm(x, W_edge, b_edge2)
    p1 = _sc_scatter(m1, src, dst)
    h1, m2 = _gru_edge(p1, x, W_ih, W_hh, b_ih2, b_hh2, W_edge, b_edge2)
    p2 = _sc_scatter(m2, src, dst)
    logits = _gru_fc(p2, h1, W_ih, W_hh, b_ih2, b_hh2, W_fc, b_fc2)
    return logits

# --- scband reference (transcript-rebuilt; emitter-appended) ---
"""Pipeline reference for scband-gnnclassifier-79207786873558 (READ-ONLY COPY).

The authoritative reference and input builder live on the scoring server;
editing this copy changes nothing except your own understanding.
"""

import jax, jax.numpy as jnp
import numpy as np

N_NODES = 10000
N_EDGES = 320000
D = 128
N_CLASS = 16
NUM_LAYERS = 2


def setup_inputs(seed: int = 0) -> dict:
    key = jax.random.key(seed)
    ks = jax.random.split(key, 10)
    x = jax.random.normal(ks[0], (N_NODES, D), dtype=jnp.float32)
    edge_index = jax.random.randint(ks[1], (2, N_EDGES), 0, N_NODES, dtype=jnp.int64 if jax.config.jax_enable_x64 else jnp.int32)
    s = 1.0 / np.sqrt(D)
    W_edge = jax.random.uniform(ks[2], (D, D), jnp.float32, -s, s)
    b_edge = jax.random.uniform(ks[3], (D,), jnp.float32, -s, s)
    W_ih = jax.random.uniform(ks[4], (D, 3 * D), jnp.float32, -s, s)
    W_hh = jax.random.uniform(ks[5], (D, 3 * D), jnp.float32, -s, s)
    b_ih = jax.random.uniform(ks[6], (3 * D,), jnp.float32, -s, s)
    b_hh = jax.random.uniform(ks[7], (3 * D,), jnp.float32, -s, s)
    W_fc = jax.random.uniform(ks[8], (D, N_CLASS), jnp.float32, -s, s)
    b_fc = jax.random.uniform(ks[9], (N_CLASS,), jnp.float32, -s, s)
    return {"x": x, "edge_index": edge_index, "W_edge": W_edge, "b_edge": b_edge,
            "W_ih": W_ih, "W_hh": W_hh, "b_ih": b_ih, "b_hh": b_hh,
            "W_fc": W_fc, "b_fc": b_fc}


def reference(x, edge_index, W_edge, b_edge, W_ih, W_hh, b_ih, b_hh, W_fc, b_fc):
    # GGNN (uni-directional, n_etypes=1, num_layers propagation steps, shared weights)
    src = edge_index[0]
    dst = edge_index[1]
    h = x
    for _ in range(NUM_LAYERS):
        # per-edge-type linear transform then scatter-add aggregation (etype 0 only)
        m = h @ W_edge + b_edge                      # [N, D]
        msgs = jnp.take(m, src, axis=0)              # gather source node messages [E, D]
        a = jnp.zeros_like(h).at[dst].add(msgs)      # scatter-add to destinations
        # GRU cell update (PyTorch GRUCell semantics)
        gi = a @ W_ih + b_ih
        gh = h @ W_hh + b_hh
        i_r, i_z, i_n = jnp.split(gi, 3, axis=-1)
        h_r, h_z, h_n = jnp.split(gh, 3, axis=-1)
        r = jax.nn.sigmoid(i_r + h_r)
        z = jax.nn.sigmoid(i_z + h_z)
        n = jnp.tanh(i_n + r * h_n)
        h = (1.0 - z) * n + z * h
    logits = jax.nn.elu(h) @ W_fc + b_fc
    return logits

if __name__ == "__main__":
    import jax
    _d = setup_inputs()
    print(jax.jit(kernel)(*tuple(_d.values())))

</pallas_src>

<mosaic_0001>
#map = affine_map<(d0, d1) -> (0, 0, 0)>
module attributes {stable_mosaic.version = 14 : i64} {
  func.func @sc_scatter(%arg0: i32, %arg1: i32, %arg2: memref<2x10000x64xf32, #tpu.memory_space<hbm>>, %arg3: memref<16x160x125xi32, #tpu.memory_space<hbm>>, %arg4: memref<16x160x125xi32, #tpu.memory_space<hbm>>, %arg5: memref<2x10112x64xf32, #tpu.memory_space<hbm>>, %arg6: memref<160x125xi32, #tpu.memory_space<vmem>>, %arg7: memref<160x125xi32, #tpu.memory_space<vmem>>, %arg8: memref<125x64xf32, #tpu.memory_space<vmem>>, %arg9: memref<632x64xf32, #tpu.memory_space<vmem>>, %arg10: memref<10112x64xf32, #tpu.memory_space<vmem_shared>>, %arg11: memref<!tpu.dma_semaphore, #tpu.memory_space<semaphore_mem>>) attributes {dimension_semantics = [#tpu.dimension_semantics<core_parallel>, #tpu.dimension_semantics<subcore_parallel>], iteration_bounds = array<i64: 2, 16>, scalar_prefetch = 0 : i64, scratch_operands = 6 : i64, tpu.core_type = #tpu.core_type<sc_vector_subcore>, window_params = [{transform_indices = #map}, {transform_indices = #map}, {transform_indices = #map}, {transform_indices = #map}]} {
    "tpu.region"() ({
      %run_scoped3A = tpu.sem_alloc : memref<!tpu.dma_semaphore, #tpu.memory_space<semaphore_mem>>
      %dma_start3A = arith.constant 0 : i32
      %dma_start3A_14 = arith.constant 0 : i32
      %dma_start3A_15 = tpu.memref_slice %arg3[%arg1, %dma_start3A, %dma_start3A_14] : memref<16x160x125xi32, #tpu.memory_space<hbm>> -> memref<1x160x125xi32, #tpu.memory_space<hbm>>
      %dma_start3A_16 = tpu.memref_squeeze %dma_start3A_15 : memref<1x160x125xi32, #tpu.memory_space<hbm>> -> memref<160x125xi32, #tpu.memory_space<hbm>>
      %dma_start3A_17 = arith.constant 0 : i32
      %dma_start3A_18 = arith.constant 0 : i32
      %dma_start3A_19 = tpu.memref_slice %arg3[%arg1, %dma_start3A_17, %dma_start3A_18] : memref<16x160x125xi32, #tpu.memory_space<hbm>> -> memref<1x160x125xi32, #tpu.memory_space<hbm>>
      %dma_start3A_20 = tpu.memref_squeeze %dma_start3A_19 : memref<1x160x125xi32, #tpu.memory_space<hbm>> -> memref<160x125xi32, #tpu.memory_space<hbm>>
      tpu.enqueue_dma source(%dma_start3A_20 : memref<160x125xi32, #tpu.memory_space<hbm>>) target(%arg6 : memref<160x125xi32, #tpu.memory_space<vmem>>) target_semaphore(%run_scoped3A : memref<!tpu.dma_semaphore, #tpu.memory_space<semaphore_mem>>)
      %dma_wait3A = arith.constant 0 : i32
      %dma_wait3A_21 = arith.constant 0 : i32
      %dma_wait3A_22 = tpu.memref_slice %arg3[%arg1, %dma_wait3A, %dma_wait3A_21] : memref<16x160x125xi32, #tpu.memory_space<hbm>> -> memref<1x160x125xi32, #tpu.memory_space<hbm>>
      %dma_wait3A_23 = tpu.memref_squeeze %dma_wait3A_22 : memref<1x160x125xi32, #tpu.memory_space<hbm>> -> memref<160x125xi32, #tpu.memory_space<hbm>>
      %dma_wait3A_24 = arith.constant 0 : i32
      %dma_wait3A_25 = arith.constant 0 : i32
      %dma_wait3A_26 = tpu.memref_slice %arg3[%arg1, %dma_wait3A_24, %dma_wait3A_25] : memref<16x160x125xi32, #tpu.memory_space<hbm>> -> memref<1x160x125xi32, #tpu.memory_space<hbm>>
      %dma_wait3A_27 = tpu.memref_squeeze %dma_wait3A_26 : memref<1x160x125xi32, #tpu.memory_space<hbm>> -> memref<160x125xi32, #tpu.memory_space<hbm>>
      tpu.wait_dma2 semaphore(%run_scoped3A : memref<!tpu.dma_semaphore, #tpu.memory_space<semaphore_mem>>) src(%dma_wait3A_27 : memref<160x125xi32, #tpu.memory_space<hbm>>) dst(%arg6 : memref<160x125xi32, #tpu.memory_space<vmem>>)
      tpu.yield
    }) : () -> ()
    "tpu.region"() ({
      %run_scoped3A = tpu.sem_alloc : memref<!tpu.dma_semaphore, #tpu.memory_space<semaphore_mem>>
      %dma_start3A = arith.constant 0 : i32
      %dma_start3A_14 = arith.constant 0 : i32
      %dma_start3A_15 = tpu.memref_slice %arg4[%arg1, %dma_start3A, %dma_start3A_14] : memref<16x160x125xi32, #tpu.memory_space<hbm>> -> memref<1x160x125xi32, #tpu.memory_space<hbm>>
      %dma_start3A_16 = tpu.memref_squeeze %dma_start3A_15 : memref<1x160x125xi32, #tpu.memory_space<hbm>> -> memref<160x125xi32, #tpu.memory_space<hbm>>
      %dma_start3A_17 = arith.constant 0 : i32
      %dma_start3A_18 = arith.constant 0 : i32
      %dma_start3A_19 = tpu.memref_slice %arg4[%arg1, %dma_start3A_17, %dma_start3A_18] : memref<16x160x125xi32, #tpu.memory_space<hbm>> -> memref<1x160x125xi32, #tpu.memory_space<hbm>>
      %dma_start3A_20 = tpu.memref_squeeze %dma_start3A_19 : memref<1x160x125xi32, #tpu.memory_space<hbm>> -> memref<160x125xi32, #tpu.memory_space<hbm>>
      tpu.enqueue_dma source(%dma_start3A_20 : memref<160x125xi32, #tpu.memory_space<hbm>>) target(%arg7 : memref<160x125xi32, #tpu.memory_space<vmem>>) target_semaphore(%run_scoped3A : memref<!tpu.dma_semaphore, #tpu.memory_space<semaphore_mem>>)
      %dma_wait3A = arith.constant 0 : i32
      %dma_wait3A_21 = arith.constant 0 : i32
      %dma_wait3A_22 = tpu.memref_slice %arg4[%arg1, %dma_wait3A, %dma_wait3A_21] : memref<16x160x125xi32, #tpu.memory_space<hbm>> -> memref<1x160x125xi32, #tpu.memory_space<hbm>>
      %dma_wait3A_23 = tpu.memref_squeeze %dma_wait3A_22 : memref<1x160x125xi32, #tpu.memory_space<hbm>> -> memref<160x125xi32, #tpu.memory_space<hbm>>
      %dma_wait3A_24 = arith.constant 0 : i32
      %dma_wait3A_25 = arith.constant 0 : i32
      %dma_wait3A_26 = tpu.memref_slice %arg4[%arg1, %dma_wait3A_24, %dma_wait3A_25] : memref<16x160x125xi32, #tpu.memory_space<hbm>> -> memref<1x160x125xi32, #tpu.memory_space<hbm>>
      %dma_wait3A_27 = tpu.memref_squeeze %dma_wait3A_26 : memref<1x160x125xi32, #tpu.memory_space<hbm>> -> memref<160x125xi32, #tpu.memory_space<hbm>>
      tpu.wait_dma2 semaphore(%run_scoped3A : memref<!tpu.dma_semaphore, #tpu.memory_space<semaphore_mem>>) src(%dma_wait3A_27 : memref<160x125xi32, #tpu.memory_space<hbm>>) dst(%arg7 : memref<160x125xi32, #tpu.memory_space<vmem>>)
      tpu.yield
    }) : () -> ()
    %broadcast_in_dim3A = arith.constant 0.000000e+00 : f32
    %broadcast_in_dim3A_0 = vector.broadcast %broadcast_in_dim3A : f32 to vector<16xf32>
    %scan3A = arith.constant 0 : i32
    %scan3A_1 = arith.constant 0 : i32
    %scan3A_2 = arith.constant 632 : i32
    %scan3A_3 = arith.addi %scan3A_1, %scan3A_2 : i32
    %scan3A_4 = arith.constant 1 : i32
    scf.for %scan3A_14 = %scan3A_1 to %scan3A_3 step %scan3A_4  : i32 {
      %swap3A = arith.index_cast %scan3A_14 : i32 to index
      %swap3A_15 = arith.constant 0 : index
      %swap3A_16 = tpu.vector_load %arg9[%swap3A, %swap3A_15] {strides = array<i32>} : memref<632x64xf32, #tpu.memory_space<vmem>>, vector<1x16xf32>,
      %swap3A_17 = vector.shape_cast %swap3A_16 : vector<1x16xf32> to vector<16xf32>
      %swap3A_18 = vector.shape_cast %broadcast_in_dim3A_0 : vector<16xf32> to vector<1x16xf32>
      tpu.vector_store %arg9[%swap3A, %swap3A_15], %swap3A_18 {strides = array<i32>} : memref<632x64xf32, #tpu.memory_space<vmem>>, vector<1x16xf32>,
      %swap3A_19 = arith.index_cast %scan3A_14 : i32 to index
      %swap3A_20 = arith.constant 16 : index
      %swap3A_21 = tpu.vector_load %arg9[%swap3A_19, %swap3A_20] {strides = array<i32>} : memref<632x64xf32, #tpu.memory_space<vmem>>, vector<1x16xf32>,
      %swap3A_22 = vector.shape_cast %swap3A_21 : vector<1x16xf32> to vector<16xf32>
      %swap3A_23 = vector.shape_cast %broadcast_in_dim3A_0 : vector<16xf32> to vector<1x16xf32>
      tpu.vector_store %arg9[%swap3A_19, %swap3A_20], %swap3A_23 {strides = array<i32>} : memref<632x64xf32, #tpu.memory_space<vmem>>, vector<1x16xf32>,
      %swap3A_24 = arith.index_cast %scan3A_14 : i32 to index
      %swap3A_25 = arith.constant 32 : index
      %swap3A_26 = tpu.vector_load %arg9[%swap3A_24, %swap3A_25] {strides = array<i32>} : memref<632x64xf32, #tpu.memory_space<vmem>>, vector<1x16xf32>,
      %swap3A_27 = vector.shape_cast %swap3A_26 : vector<1x16xf32> to vector<16xf32>
      %swap3A_28 = vector.shape_cast %broadcast_in_dim3A_0 : vector<16xf32> to vector<1x16xf32>
      tpu.vector_store %arg9[%swap3A_24, %swap3A_25], %swap3A_28 {strides = array<i32>} : memref<632x64xf32, #tpu.memory_space<vmem>>, vector<1x16xf32>,
      %swap3A_29 = arith.index_cast %scan3A_14 : i32 to index
      %swap3A_30 = arith.constant 48 : index
      %swap3A_31 = tpu.vector_load %arg9[%swap3A_29, %swap3A_30] {strides = array<i32>} : memref<632x64xf32, #tpu.memory_space<vmem>>, vector<1x16xf32>,
      %swap3A_32 = vector.shape_cast %swap3A_31 : vector<1x16xf32> to vector<16xf32>
      %swap3A_33 = vector.shape_cast %broadcast_in_dim3A_0 : vector<16xf32> to vector<1x16xf32>
      tpu.vector_store %arg9[%swap3A_29, %swap3A_30], %swap3A_33 {strides = array<i32>} : memref<632x64xf32, #tpu.memory_space<vmem>>, vector<1x16xf32>,
    }
    %scan3A_5 = arith.constant 632 : i32
    %mul3A = arith.constant 632 : i32
    %mul3A_6 = arith.muli %arg1, %mul3A : i32
    "tpu.region"() ({
      %run_scoped3A = tpu.sem_alloc : memref<!tpu.dma_semaphore, #tpu.memory_space<semaphore_mem>>
      %dma_start3A = arith.constant 0 : i32
      %dma_start3A_14 = tpu.memref_slice %arg10[%mul3A_6, %dma_start3A] : memref<10112x64xf32, #tpu.memory_space<vmem_shared>> -> memref<632x64xf32, #tpu.memory_space<vmem_shared>>
      %dma_start3A_15 = arith.constant 0 : i32
      %dma_start3A_16 = tpu.memref_slice %arg10[%mul3A_6, %dma_start3A_15] : memref<10112x64xf32, #tpu.memory_space<vmem_shared>> -> memref<632x64xf32, #tpu.memory_space<vmem_shared>>
      tpu.enqueue_dma source(%arg9 : memref<632x64xf32, #tpu.memory_space<vmem>>) target(%dma_start3A_16 : memref<632x64xf32, #tpu.memory_space<vmem_shared>>) target_semaphore(%run_scoped3A : memref<!tpu.dma_semaphore, #tpu.memory_space<semaphore_mem>>)
      %dma_wait3A = arith.constant 0 : i32
      %dma_wait3A_17 = tpu.memref_slice %arg10[%mul3A_6, %dma_wait3A] : memref<10112x64xf32, #tpu.memory_space<vmem_shared>> -> memref<632x64xf32, #tpu.memory_space<vmem_shared>>
      %dma_wait3A_18 = arith.constant 0 : i32
      %dma_wait3A_19 = tpu.memref_slice %arg10[%mul3A_6, %dma_wait3A_18] : memref<10112x64xf32, #tpu.memory_space<vmem_shared>> -> memref<632x64xf32, #tpu.memory_space<vmem_shared>>
      tpu.wait_dma2 semaphore(%run_scoped3A : memref<!tpu.dma_semaphore, #tpu.memory_space<semaphore_mem>>) src(%arg9 : memref<632x64xf32, #tpu.memory_space<vmem>>) dst(%dma_wait3A_19 : memref<632x64xf32, #tpu.memory_space<vmem_shared>>)
      tpu.yield
    }) : () -> ()
    %barrier3A = arith.constant 0 : index
    tpu.barrier barrier_id(%barrier3A)
    %scan3A_7 = arith.constant 0 : i32
    %scan3A_8 = arith.constant 0 : i32
    %scan3A_9 = arith.constant 160 : i32
    %scan3A_10 = arith.addi %scan3A_8, %scan3A_9 : i32
    %scan3A_11 = arith.constant 1 : i32
    scf.for %scan3A_14 = %scan3A_8 to %scan3A_10 step %scan3A_11  : i32 {
      %dma_start3A = arith.constant 0 : i32
      %dma_start3A_15 = tpu.memref_slice %arg6[%scan3A_14, %dma_start3A] : memref<160x125xi32, #tpu.memory_space<vmem>> -> memref<1x125xi32, #tpu.memory_space<vmem>>
      %dma_start3A_16 = tpu.memref_squeeze %dma_start3A_15 : memref<1x125xi32, #tpu.memory_space<vmem>> -> memref<125xi32, #tpu.memory_space<vmem>>
      %dma_start3A_17 = arith.constant 0 : i32
      %dma_start3A_18 = arith.constant 0 : i32
      %dma_start3A_19 = tpu.memref_slice %arg2[%arg0, %dma_start3A_17, %dma_start3A_18] : memref<2x10000x64xf32, #tpu.memory_space<hbm>> -> memref<1x10000x64xf32, #tpu.memory_space<hbm>>
      %dma_start3A_20 = tpu.memref_squeeze %dma_start3A_19 : memref<1x10000x64xf32, #tpu.memory_space<hbm>> -> memref<10000x64xf32, #tpu.memory_space<hbm>>
      %dma_start3A_21 = arith.constant 0 : i32
      %dma_start3A_22 = arith.constant 0 : i32
      %dma_start3A_23 = tpu.memref_slice %dma_start3A_20[%dma_start3A_21, %dma_start3A_22] : memref<10000x64xf32, #tpu.memory_space<hbm>> -> memref<10000x64xf32, #tpu.memory_space<hbm>>
      tpu.enqueue_indirect_dma source(%dma_start3A_23 : memref<10000x64xf32, #tpu.memory_space<hbm>>) target(%arg8 : memref<125x64xf32, #tpu.memory_space<vmem>>) offsets(%dma_start3A_16 : memref<125xi32, #tpu.memory_space<vmem>>) semaphore(%arg11 : memref<!tpu.dma_semaphore, #tpu.memory_space<semaphore_mem>>)
      %dma_wait3A = arith.constant 0 : i32
      %dma_wait3A_24 = tpu.memref_slice %arg6[%scan3A_14, %dma_wait3A] : memref<160x125xi32, #tpu.memory_space<vmem>> -> memref<1x125xi32, #tpu.memory_space<vmem>>
      %dma_wait3A_25 = tpu.memref_squeeze %dma_wait3A_24 : memref<1x125xi32, #tpu.memory_space<vmem>> -> memref<125xi32, #tpu.memory_space<vmem>>
      %dma_wait3A_26 = arith.constant 0 : i32
      %dma_wait3A_27 = arith.constant 0 : i32
      %dma_wait3A_28 = tpu.memref_slice %arg2[%arg0, %dma_wait3A_26, %dma_wait3A_27] : memref<2x10000x64xf32, #tpu.memory_space<hbm>> -> memref<1x10000x64xf32, #tpu.memory_space<hbm>>
      %dma_wait3A_29 = tpu.memref_squeeze %dma_wait3A_28 : memref<1x10000x64xf32, #tpu.memory_space<hbm>> -> memref<10000x64xf32, #tpu.memory_space<hbm>>
      %dma_wait3A_30 = arith.constant 0 : i32
      %dma_wait3A_31 = arith.constant 0 : i32
      %dma_wait3A_32 = tpu.memref_slice %dma_wait3A_29[%dma_wait3A_30, %dma_wait3A_31] : memref<10000x64xf32, #tpu.memory_space<hbm>> -> memref<10000x64xf32, #tpu.memory_space<hbm>>
      tpu.wait_indirect_dma semaphore(%arg11 : memref<!tpu.dma_semaphore, #tpu.memory_space<semaphore_mem>>) src(%dma_wait3A_32 : memref<10000x64xf32, #tpu.memory_space<hbm>>) dst(%arg8 : memref<125x64xf32, #tpu.memory_space<vmem>>)
      "tpu.region"() ({
        %run_scoped3A = tpu.sem_alloc : memref<!tpu.dma_semaphore, #tpu.memory_space<semaphore_mem>>
        %dma_start3A_33 = arith.constant 0 : i32
        %dma_start3A_34 = tpu.memref_slice %arg7[%scan3A_14, %dma_start3A_33] : memref<160x125xi32, #tpu.memory_space<vmem>> -> memref<1x125xi32, #tpu.memory_space<vmem>>
        %dma_start3A_35 = tpu.memref_squeeze %dma_start3A_34 : memref<1x125xi32, #tpu.memory_space<vmem>> -> memref<125xi32, #tpu.memory_space<vmem>>
        %dma_start3A_36 = arith.constant 0 : i32
        %dma_start3A_37 = arith.constant 0 : i32
        %dma_start3A_38 = tpu.memref_slice %arg10[%dma_start3A_36, %dma_start3A_37] : memref<10112x64xf32, #tpu.memory_space<vmem_shared>> -> memref<10112x64xf32, #tpu.memory_space<vmem_shared>>
        tpu.enqueue_indirect_dma source(%arg8 : memref<125x64xf32, #tpu.memory_space<vmem>>) target(%dma_start3A_38 : memref<10112x64xf32, #tpu.memory_space<vmem_shared>>) offsets(%dma_start3A_35 : memref<125xi32, #tpu.memory_space<vmem>>) semaphore(%run_scoped3A : memref<!tpu.dma_semaphore, #tpu.memory_space<semaphore_mem>>) {add = true}
        %dma_wait3A_39 = arith.constant 0 : i32
        %dma_wait3A_40 = tpu.memref_slice %arg7[%scan3A_14, %dma_wait3A_39] : memref<160x125xi32, #tpu.memory_space<vmem>> -> memref<1x125xi32, #tpu.memory_space<vmem>>
        %dma_wait3A_41 = tpu.memref_squeeze %dma_wait3A_40 : memref<1x125xi32, #tpu.memory_space<vmem>> -> memref<125xi32, #tpu.memory_space<vmem>>
        %dma_wait3A_42 = arith.constant 0 : i32
        %dma_wait3A_43 = arith.constant 0 : i32
        %dma_wait3A_44 = tpu.memref_slice %arg10[%dma_wait3A_42, %dma_wait3A_43] : memref<10112x64xf32, #tpu.memory_space<vmem_shared>> -> memref<10112x64xf32, #tpu.memory_space<vmem_shared>>
        tpu.wait_indirect_dma semaphore(%run_scoped3A : memref<!tpu.dma_semaphore, #tpu.memory_space<semaphore_mem>>) src(%arg8 : memref<125x64xf32, #tpu.memory_space<vmem>>) dst(%dma_wait3A_44 : memref<10112x64xf32, #tpu.memory_space<vmem_shared>>)
        tpu.yield
      }) : () -> ()
    }
    %scan3A_12 = arith.constant 160 : i32
    %barrier3A_13 = arith.constant 0 : index
    tpu.barrier barrier_id(%barrier3A_13)
    "tpu.region"() ({
      %run_scoped3A = tpu.sem_alloc : memref<!tpu.dma_semaphore, #tpu.memory_space<semaphore_mem>>
      %dma_start3A = arith.constant 0 : i32
      %dma_start3A_14 = tpu.memref_slice %arg5[%arg0, %mul3A_6, %dma_start3A] : memref<2x10112x64xf32, #tpu.memory_space<hbm>> -> memref<1x632x64xf32, #tpu.memory_space<hbm>>
      %dma_start3A_15 = tpu.memref_squeeze %dma_start3A_14 : memref<1x632x64xf32, #tpu.memory_space<hbm>> -> memref<632x64xf32, #tpu.memory_space<hbm>>
      %dma_start3A_16 = arith.constant 0 : i32
      %dma_start3A_17 = tpu.memref_slice %arg10[%mul3A_6, %dma_start3A_16] : memref<10112x64xf32, #tpu.memory_space<vmem_shared>> -> memref<632x64xf32, #tpu.memory_space<vmem_shared>>
      tpu.enqueue_dma source(%dma_start3A_17 : memref<632x64xf32, #tpu.memory_space<vmem_shared>>) target(%dma_start3A_15 : memref<632x64xf32, #tpu.memory_space<hbm>>) target_semaphore(%run_scoped3A : memref<!tpu.dma_semaphore, #tpu.memory_space<semaphore_mem>>)
      %dma_wait3A = arith.constant 0 : i32
      %dma_wait3A_18 = tpu.memref_slice %arg5[%arg0, %mul3A_6, %dma_wait3A] : memref<2x10112x64xf32, #tpu.memory_space<hbm>> -> memref<1x632x64xf32, #tpu.memory_space<hbm>>
      %dma_wait3A_19 = tpu.memref_squeeze %dma_wait3A_18 : memref<1x632x64xf32, #tpu.memory_space<hbm>> -> memref<632x64xf32, #tpu.memory_space<hbm>>
      %dma_wait3A_20 = arith.constant 0 : i32
      %dma_wait3A_21 = tpu.memref_slice %arg10[%mul3A_6, %dma_wait3A_20] : memref<10112x64xf32, #tpu.memory_space<vmem_shared>> -> memref<632x64xf32, #tpu.memory_space<vmem_shared>>
      tpu.wait_dma2 semaphore(%run_scoped3A : memref<!tpu.dma_semaphore, #tpu.memory_space<semaphore_mem>>) src(%dma_wait3A_21 : memref<632x64xf32, #tpu.memory_space<vmem_shared>>) dst(%dma_wait3A_19 : memref<632x64xf32, #tpu.memory_space<hbm>>)
      tpu.yield
    }) : () -> ()
    return
  }
}

#map = affine_map<(d0, d1) -> (0, 0, 0)>
module attributes {stable_mosaic.version = 14 : i64} {
  func.func @sc_scatter(%arg0: i32, %arg1: i32, %arg2: memref<2x10000x64xf32, #tpu.memory_space<hbm>>, %arg3: memref<16x160x125xi32, #tpu.memory_space<hbm>>, %arg4: memref<16x160x125xi32, #tpu.memory_space<hbm>>, %arg5: memref<2x10112x64xf32, #tpu.memory_space<hbm>>, %arg6: memref<160x125xi32, #tpu.memory_space<vmem>>, %arg7: memref<160x125xi32, #tpu.memory_space<vmem>>, %arg8: memref<125x64xf32, #tpu.memory_space<vmem>>, %arg9: memref<632x64xf32, #tpu.memory_space<vmem>>, %arg10: memref<10112x64xf32, #tpu.memory_space<vmem_shared>>, %arg11: memref<!tpu.dma_semaphore, #tpu.memory_space<semaphore_mem>>) attributes {dimension_semantics = [#tpu.dimension_semantics<core_parallel>, #tpu.dimension_semantics<subcore_parallel>], iteration_bounds = array<i64: 2, 16>, scalar_prefetch = 0 : i64, scratch_operands = 6 : i64, tpu.core_type = #tpu.core_type<sc_vector_subcore>, window_params = [{transform_indices = #map}, {transform_indices = #map}, {transform_indices = #map}, {transform_indices = #map}]} {
    "tpu.region"() ({
      %run_scoped3A = tpu.sem_alloc : memref<!tpu.dma_semaphore, #tpu.memory_space<semaphore_mem>>
      %dma_start3A = arith.constant 0 : i32
      %dma_start3A_14 = arith.constant 0 : i32
      %dma_start3A_15 = tpu.memref_slice %arg3[%arg1, %dma_start3A, %dma_start3A_14] : memref<16x160x125xi32, #tpu.memory_space<hbm>> -> memref<1x160x125xi32, #tpu.memory_space<hbm>>
      %dma_start3A_16 = tpu.memref_squeeze %dma_start3A_15 : memref<1x160x125xi32, #tpu.memory_space<hbm>> -> memref<160x125xi32, #tpu.memory_space<hbm>>
      %dma_start3A_17 = arith.constant 0 : i32
      %dma_start3A_18 = arith.constant 0 : i32
      %dma_start3A_19 = tpu.memref_slice %arg3[%arg1, %dma_start3A_17, %dma_start3A_18] : memref<16x160x125xi32, #tpu.memory_space<hbm>> -> memref<1x160x125xi32, #tpu.memory_space<hbm>>
      %dma_start3A_20 = tpu.memref_squeeze %dma_start3A_19 : memref<1x160x125xi32, #tpu.memory_space<hbm>> -> memref<160x125xi32, #tpu.memory_space<hbm>>
      tpu.enqueue_dma source(%dma_start3A_20 : memref<160x125xi32, #tpu.memory_space<hbm>>) target(%arg6 : memref<160x125xi32, #tpu.memory_space<vmem>>) target_semaphore(%run_scoped3A : memref<!tpu.dma_semaphore, #tpu.memory_space<semaphore_mem>>)
      %dma_wait3A = arith.constant 0 : i32
      %dma_wait3A_21 = arith.constant 0 : i32
      %dma_wait3A_22 = tpu.memref_slice %arg3[%arg1, %dma_wait3A, %dma_wait3A_21] : memref<16x160x125xi32, #tpu.memory_space<hbm>> -> memref<1x160x125xi32, #tpu.memory_space<hbm>>
      %dma_wait3A_23 = tpu.memref_squeeze %dma_wait3A_22 : memref<1x160x125xi32, #tpu.memory_space<hbm>> -> memref<160x125xi32, #tpu.memory_space<hbm>>
      %dma_wait3A_24 = arith.constant 0 : i32
      %dma_wait3A_25 = arith.constant 0 : i32
      %dma_wait3A_26 = tpu.memref_slice %arg3[%arg1, %dma_wait3A_24, %dma_wait3A_25] : memref<16x160x125xi32, #tpu.memory_space<hbm>> -> memref<1x160x125xi32, #tpu.memory_space<hbm>>
      %dma_wait3A_27 = tpu.memref_squeeze %dma_wait3A_26 : memref<1x160x125xi32, #tpu.memory_space<hbm>> -> memref<160x125xi32, #tpu.memory_space<hbm>>
      tpu.wait_dma2 semaphore(%run_scoped3A : memref<!tpu.dma_semaphore, #tpu.memory_space<semaphore_mem>>) src(%dma_wait3A_27 : memref<160x125xi32, #tpu.memory_space<hbm>>) dst(%arg6 : memref<160x125xi32, #tpu.memory_space<vmem>>)
      tpu.yield
    }) : () -> ()
    "tpu.region"() ({
      %run_scoped3A = tpu.sem_alloc : memref<!tpu.dma_semaphore, #tpu.memory_space<semaphore_mem>>
      %dma_start3A = arith.constant 0 : i32
      %dma_start3A_14 = arith.constant 0 : i32
      %dma_start3A_15 = tpu.memref_slice %arg4[%arg1, %dma_start3A, %dma_start3A_14] : memref<16x160x125xi32, #tpu.memory_space<hbm>> -> memref<1x160x125xi32, #tpu.memory_space<hbm>>
      %dma_start3A_16 = tpu.memref_squeeze %dma_start3A_15 : memref<1x160x125xi32, #tpu.memory_space<hbm>> -> memref<160x125xi32, #tpu.memory_space<hbm>>
      %dma_start3A_17 = arith.constant 0 : i32
      %dma_start3A_18 = arith.constant 0 : i32
      %dma_start3A_19 = tpu.memref_slice %arg4[%arg1, %dma_start3A_17, %dma_start3A_18] : memref<16x160x125xi32, #tpu.memory_space<hbm>> -> memref<1x160x125xi32, #tpu.memory_space<hbm>>
      %dma_start3A_20 = tpu.memref_squeeze %dma_start3A_19 : memref<1x160x125xi32, #tpu.memory_space<hbm>> -> memref<160x125xi32, #tpu.memory_space<hbm>>
      tpu.enqueue_dma source(%dma_start3A_20 : memref<160x125xi32, #tpu.memory_space<hbm>>) target(%arg7 : memref<160x125xi32, #tpu.memory_space<vmem>>) target_semaphore(%run_scoped3A : memref<!tpu.dma_semaphore, #tpu.memory_space<semaphore_mem>>)
      %dma_wait3A = arith.constant 0 : i32
      %dma_wait3A_21 = arith.constant 0 : i32
      %dma_wait3A_22 = tpu.memref_slice %arg4[%arg1, %dma_wait3A, %dma_wait3A_21] : memref<16x160x125xi32, #tpu.memory_space<hbm>> -> memref<1x160x125xi32, #tpu.memory_space<hbm>>
      %dma_wait3A_23 = tpu.memref_squeeze %dma_wait3A_22 : memref<1x160x125xi32, #tpu.memory_space<hbm>> -> memref<160x125xi32, #tpu.memory_space<hbm>>
      %dma_wait3A_24 = arith.constant 0 : i32
      %dma_wait3A_25 = arith.constant 0 : i32
      %dma_wait3A_26 = tpu.memref_slice %arg4[%arg1, %dma_wait3A_24, %dma_wait3A_25] : memref<16x160x125xi32, #tpu.memory_space<hbm>> -> memref<1x160x125xi32, #tpu.memory_space<hbm>>
      %dma_wait3A_27 = tpu.memref_squeeze %dma_wait3A_26 : memref<1x160x125xi32, #tpu.memory_space<hbm>> -> memref<160x125xi32, #tpu.memory_space<hbm>>
      tpu.wait_dma2 semaphore(%run_scoped3A : memref<!tpu.dma_semaphore, #tpu.memory_space<semaphore_mem>>) src(%dma_wait3A_27 : memref<160x125xi32, #tpu.memory_space<hbm>>) dst(%arg7 : memref<160x125xi32, #tpu.memory_space<vmem>>)
      tpu.yield
    }) : () -> ()
    %broadcast_in_dim3A = arith.constant 0.000000e+00 : f32
    %broadcast_in_dim3A_0 = vector.broadcast %broadcast_in_dim3A : f32 to vector<16xf32>
    %scan3A = arith.constant 0 : i32
    %scan3A_1 = arith.constant 0 : i32
    %scan3A_2 = arith.constant 632 : i32
    %scan3A_3 = arith.addi %scan3A_1, %scan3A_2 : i32
    %scan3A_4 = arith.constant 1 : i32
    scf.for %scan3A_14 = %scan3A_1 to %scan3A_3 step %scan3A_4  : i32 {
      %swap3A = arith.index_cast %scan3A_14 : i32 to index
      %swap3A_15 = arith.constant 0 : index
      %swap3A_16 = tpu.vector_load %arg9[%swap3A, %swap3A_15] {strides = array<i32>} : memref<632x64xf32, #tpu.memory_space<vmem>>, vector<1x16xf32>,
      %swap3A_17 = vector.shape_cast %swap3A_16 : vector<1x16xf32> to vector<16xf32>
      %swap3A_18 = vector.shape_cast %broadcast_in_dim3A_0 : vector<16xf32> to vector<1x16xf32>
      tpu.vector_store %arg9[%swap3A, %swap3A_15], %swap3A_18 {strides = array<i32>} : memref<632x64xf32, #tpu.memory_space<vmem>>, vector<1x16xf32>,
      %swap3A_19 = arith.index_cast %scan3A_14 : i32 to index
      %swap3A_20 = arith.constant 16 : index
      %swap3A_21 = tpu.vector_load %arg9[%swap3A_19, %swap3A_20] {strides = array<i32>} : memref<632x64xf32, #tpu.memory_space<vmem>>, vector<1x16xf32>,
      %swap3A_22 = vector.shape_cast %swap3A_21 : vector<1x16xf32> to vector<16xf32>
      %swap3A_23 = vector.shape_cast %broadcast_in_dim3A_0 : vector<16xf32> to vector<1x16xf32>
      tpu.vector_store %arg9[%swap3A_19, %swap3A_20], %swap3A_23 {strides = array<i32>} : memref<632x64xf32, #tpu.memory_space<vmem>>, vector<1x16xf32>,
      %swap3A_24 = arith.index_cast %scan3A_14 : i32 to index
      %swap3A_25 = arith.constant 32 : index
      %swap3A_26 = tpu.vector_load %arg9[%swap3A_24, %swap3A_25] {strides = array<i32>} : memref<632x64xf32, #tpu.memory_space<vmem>>, vector<1x16xf32>,
      %swap3A_27 = vector.shape_cast %swap3A_26 : vector<1x16xf32> to vector<16xf32>
      %swap3A_28 = vector.shape_cast %broadcast_in_dim3A_0 : vector<16xf32> to vector<1x16xf32>
      tpu.vector_store %arg9[%swap3A_24, %swap3A_25], %swap3A_28 {strides = array<i32>} : memref<632x64xf32, #tpu.memory_space<vmem>>, vector<1x16xf32>,
      %swap3A_29 = arith.index_cast %scan3A_14 : i32 to index
      %swap3A_30 = arith.constant 48 : index
      %swap3A_31 = tpu.vector_load %arg9[%swap3A_29, %swap3A_30] {strides = array<i32>} : memref<632x64xf32, #tpu.memory_space<vmem>>, vector<1x16xf32>,
      %swap3A_32 = vector.shape_cast %swap3A_31 : vector<1x16xf32> to vector<16xf32>
      %swap3A_33 = vector.shape_cast %broadcast_in_dim3A_0 : vector<16xf32> to vector<1x16xf32>
      tpu.vector_store %arg9[%swap3A_29, %swap3A_30], %swap3A_33 {strides = array<i32>} : memref<632x64xf32, #tpu.memory_space<vmem>>, vector<1x16xf32>,
    }
    %scan3A_5 = arith.constant 632 : i32
    %mul3A = arith.constant 632 : i32
    %mul3A_6 = arith.muli %arg1, %mul3A : i32
    "tpu.region"() ({
      %run_scoped3A = tpu.sem_alloc : memref<!tpu.dma_semaphore, #tpu.memory_space<semaphore_mem>>
      %dma_start3A = arith.constant 0 : i32
      %dma_start3A_14 = tpu.memref_slice %arg10[%mul3A_6, %dma_start3A] : memref<10112x64xf32, #tpu.memory_space<vmem_shared>> -> memref<632x64xf32, #tpu.memory_space<vmem_shared>>
      %dma_start3A_15 = arith.constant 0 : i32
      %dma_start3A_16 = tpu.memref_slice %arg10[%mul3A_6, %dma_start3A_15] : memref<10112x64xf32, #tpu.memory_space<vmem_shared>> -> memref<632x64xf32, #tpu.memory_space<vmem_shared>>
      tpu.enqueue_dma source(%arg9 : memref<632x64xf32, #tpu.memory_space<vmem>>) target(%dma_start3A_16 : memref<632x64xf32, #tpu.memory_space<vmem_shared>>) target_semaphore(%run_scoped3A : memref<!tpu.dma_semaphore, #tpu.memory_space<semaphore_mem>>)
      %dma_wait3A = arith.constant 0 : i32
      %dma_wait3A_17 = tpu.memref_slice %arg10[%mul3A_6, %dma_wait3A] : memref<10112x64xf32, #tpu.memory_space<vmem_shared>> -> memref<632x64xf32, #tpu.memory_space<vmem_shared>>
      %dma_wait3A_18 = arith.constant 0 : i32
      %dma_wait3A_19 = tpu.memref_slice %arg10[%mul3A_6, %dma_wait3A_18] : memref<10112x64xf32, #tpu.memory_space<vmem_shared>> -> memref<632x64xf32, #tpu.memory_space<vmem_shared>>
      tpu.wait_dma2 semaphore(%run_scoped3A : memref<!tpu.dma_semaphore, #tpu.memory_space<semaphore_mem>>) src(%arg9 : memref<632x64xf32, #tpu.memory_space<vmem>>) dst(%dma_wait3A_19 : memref<632x64xf32, #tpu.memory_space<vmem_shared>>)
      tpu.yield
    }) : () -> ()
    %barrier3A = arith.constant 0 : index
    tpu.barrier barrier_id(%barrier3A)
    %scan3A_7 = arith.constant 0 : i32
    %scan3A_8 = arith.constant 0 : i32
    %scan3A_9 = arith.constant 160 : i32
    %scan3A_10 = arith.addi %scan3A_8, %scan3A_9 : i32
    %scan3A_11 = arith.constant 1 : i32
    scf.for %scan3A_14 = %scan3A_8 to %scan3A_10 step %scan3A_11  : i32 {
      %dma_start3A = arith.constant 0 : i32
      %dma_start3A_15 = tpu.memref_slice %arg6[%scan3A_14, %dma_start3A] : memref<160x125xi32, #tpu.memory_space<vmem>> -> memref<1x125xi32, #tpu.memory_space<vmem>>
      %dma_start3A_16 = tpu.memref_squeeze %dma_start3A_15 : memref<1x125xi32, #tpu.memory_space<vmem>> -> memref<125xi32, #tpu.memory_space<vmem>>
      %dma_start3A_17 = arith.constant 0 : i32
      %dma_start3A_18 = arith.constant 0 : i32
      %dma_start3A_19 = tpu.memref_slice %arg2[%arg0, %dma_start3A_17, %dma_start3A_18] : memref<2x10000x64xf32, #tpu.memory_space<hbm>> -> memref<1x10000x64xf32, #tpu.memory_space<hbm>>
      %dma_start3A_20 = tpu.memref_squeeze %dma_start3A_19 : memref<1x10000x64xf32, #tpu.memory_space<hbm>> -> memref<10000x64xf32, #tpu.memory_space<hbm>>
      %dma_start3A_21 = arith.constant 0 : i32
      %dma_start3A_22 = arith.constant 0 : i32
      %dma_start3A_23 = tpu.memref_slice %dma_start3A_20[%dma_start3A_21, %dma_start3A_22] : memref<10000x64xf32, #tpu.memory_space<hbm>> -> memref<10000x64xf32, #tpu.memory_space<hbm>>
      tpu.enqueue_indirect_dma source(%dma_start3A_23 : memref<10000x64xf32, #tpu.memory_space<hbm>>) target(%arg8 : memref<125x64xf32, #tpu.memory_space<vmem>>) offsets(%dma_start3A_16 : memref<125xi32, #tpu.memory_space<vmem>>) semaphore(%arg11 : memref<!tpu.dma_semaphore, #tpu.memory_space<semaphore_mem>>)
      %dma_wait3A = arith.constant 0 : i32
      %dma_wait3A_24 = tpu.memref_slice %arg6[%scan3A_14, %dma_wait3A] : memref<160x125xi32, #tpu.memory_space<vmem>> -> memref<1x125xi32, #tpu.memory_space<vmem>>
      %dma_wait3A_25 = tpu.memref_squeeze %dma_wait3A_24 : memref<1x125xi32, #tpu.memory_space<vmem>> -> memref<125xi32, #tpu.memory_space<vmem>>
      %dma_wait3A_26 = arith.constant 0 : i32
      %dma_wait3A_27 = arith.constant 0 : i32
      %dma_wait3A_28 = tpu.memref_slice %arg2[%arg0, %dma_wait3A_26, %dma_wait3A_27] : memref<2x10000x64xf32, #tpu.memory_space<hbm>> -> memref<1x10000x64xf32, #tpu.memory_space<hbm>>
      %dma_wait3A_29 = tpu.memref_squeeze %dma_wait3A_28 : memref<1x10000x64xf32, #tpu.memory_space<hbm>> -> memref<10000x64xf32, #tpu.memory_space<hbm>>
      %dma_wait3A_30 = arith.constant 0 : i32
      %dma_wait3A_31 = arith.constant 0 : i32
      %dma_wait3A_32 = tpu.memref_slice %dma_wait3A_29[%dma_wait3A_30, %dma_wait3A_31] : memref<10000x64xf32, #tpu.memory_space<hbm>> -> memref<10000x64xf32, #tpu.memory_space<hbm>>
      tpu.wait_indirect_dma semaphore(%arg11 : memref<!tpu.dma_semaphore, #tpu.memory_space<semaphore_mem>>) src(%dma_wait3A_32 : memref<10000x64xf32, #tpu.memory_space<hbm>>) dst(%arg8 : memref<125x64xf32, #tpu.memory_space<vmem>>)
      "tpu.region"() ({
        %run_scoped3A = tpu.sem_alloc : memref<!tpu.dma_semaphore, #tpu.memory_space<semaphore_mem>>
        %dma_start3A_33 = arith.constant 0 : i32
        %dma_start3A_34 = tpu.memref_slice %arg7[%scan3A_14, %dma_start3A_33] : memref<160x125xi32, #tpu.memory_space<vmem>> -> memref<1x125xi32, #tpu.memory_space<vmem>>
        %dma_start3A_35 = tpu.memref_squeeze %dma_start3A_34 : memref<1x125xi32, #tpu.memory_space<vmem>> -> memref<125xi32, #tpu.memory_space<vmem>>
        %dma_start3A_36 = arith.constant 0 : i32
        %dma_start3A_37 = arith.constant 0 : i32
        %dma_start3A_38 = tpu.memref_slice %arg10[%dma_start3A_36, %dma_start3A_37] : memref<10112x64xf32, #tpu.memory_space<vmem_shared>> -> memref<10112x64xf32, #tpu.memory_space<vmem_shared>>
        tpu.enqueue_indirect_dma source(%arg8 : memref<125x64xf32, #tpu.memory_space<vmem>>) target(%dma_start3A_38 : memref<10112x64xf32, #tpu.memory_space<vmem_shared>>) offsets(%dma_start3A_35 : memref<125xi32, #tpu.memory_space<vmem>>) semaphore(%run_scoped3A : memref<!tpu.dma_semaphore, #tpu.memory_space<semaphore_mem>>) {add = true}
        %dma_wait3A_39 = arith.constant 0 : i32
        %dma_wait3A_40 = tpu.memref_slice %arg7[%scan3A_14, %dma_wait3A_39] : memref<160x125xi32, #tpu.memory_space<vmem>> -> memref<1x125xi32, #tpu.memory_space<vmem>>
        %dma_wait3A_41 = tpu.memref_squeeze %dma_wait3A_40 : memref<1x125xi32, #tpu.memory_space<vmem>> -> memref<125xi32, #tpu.memory_space<vmem>>
        %dma_wait3A_42 = arith.constant 0 : i32
        %dma_wait3A_43 = arith.constant 0 : i32
        %dma_wait3A_44 = tpu.memref_slice %arg10[%dma_wait3A_42, %dma_wait3A_43] : memref<10112x64xf32, #tpu.memory_space<vmem_shared>> -> memref<10112x64xf32, #tpu.memory_space<vmem_shared>>
        tpu.wait_indirect_dma semaphore(%run_scoped3A : memref<!tpu.dma_semaphore, #tpu.memory_space<semaphore_mem>>) src(%arg8 : memref<125x64xf32, #tpu.memory_space<vmem>>) dst(%dma_wait3A_44 : memref<10112x64xf32, #tpu.memory_space<vmem_shared>>)
        tpu.yield
      }) : () -> ()
    }
    %scan3A_12 = arith.constant 160 : i32
    %barrier3A_13 = arith.constant 0 : index
    tpu.barrier barrier_id(%barrier3A_13)
    "tpu.region"() ({
      %run_scoped3A = tpu.sem_alloc : memref<!tpu.dma_semaphore, #tpu.memory_space<semaphore_mem>>
      %dma_start3A = arith.constant 0 : i32
      %dma_start3A_14 = tpu.memref_slice %arg5[%arg0, %mul3A_6, %dma_start3A] : memref<2x10112x64xf32, #tpu.memory_space<hbm>> -> memref<1x632x64xf32, #tpu.memory_space<hbm>>
      %dma_start3A_15 = tpu.memref_squeeze %dma_start3A_14 : memref<1x632x64xf32, #tpu.memory_space<hbm>> -> memref<632x64xf32, #tpu.memory_space<hbm>>
      %dma_start3A_16 = arith.constant 0 : i32
      %dma_start3A_17 = tpu.memref_slice %arg10[%mul3A_6, %dma_start3A_16] : memref<10112x64xf32, #tpu.memory_space<vmem_shared>> -> memref<632x64xf32, #tpu.memory_space<vmem_shared>>
      tpu.enqueue_dma source(%dma_start3A_17 : memref<632x64xf32, #tpu.memory_space<vmem_shared>>) target(%dma_start3A_15 : memref<632x64xf32, #tpu.memory_space<hbm>>) target_semaphore(%run_scoped3A : memref<!tpu.dma_semaphore, #tpu.memory_space<semaphore_mem>>)
      %dma_wait3A = arith.constant 0 : i32
      %dma_wait3A_18 = tpu.memref_slice %arg5[%arg0, %mul3A_6, %dma_wait3A] : memref<2x10112x64xf32, #tpu.memory_space<hbm>> -> memref<1x632x64xf32, #tpu.memory_space<hbm>>
      %dma_wait3A_19 = tpu.memref_squeeze %dma_wait3A_18 : memref<1x632x64xf32, #tpu.memory_space<hbm>> -> memref<632x64xf32, #tpu.memory_space<hbm>>
      %dma_wait3A_20 = arith.constant 0 : i32
      %dma_wait3A_21 = tpu.memref_slice %arg10[%mul3A_6, %dma_wait3A_20] : memref<10112x64xf32, #tpu.memory_space<vmem_shared>> -> memref<632x64xf32, #tpu.memory_space<vmem_shared>>
      tpu.wait_dma2 semaphore(%run_scoped3A : memref<!tpu.dma_semaphore, #tpu.memory_space<semaphore_mem>>) src(%dma_wait3A_21 : memref<632x64xf32, #tpu.memory_space<vmem_shared>>) dst(%dma_wait3A_19 : memref<632x64xf32, #tpu.memory_space<hbm>>)
      tpu.yield
    }) : () -> ()
    return
  }
}

module attributes {stable_mosaic.version = 14 : i64} {
  func.func @_edge_mm_body(%arg0: i32, %arg1: memref<1000x128xf32, #tpu.memory_space<vmem>>, %arg2: memref<128x128xf32, #tpu.memory_space<vmem>>, %arg3: memref<1x128xf32, #tpu.memory_space<vmem>>, %arg4: memref<2x1000x64xf32, #tpu.memory_space<vmem>>) attributes {dimension_semantics = [#tpu.dimension_semantics<arbitrary>], iteration_bounds = array<i64: 10>, scalar_prefetch = 0 : i64, scratch_operands = 0 : i64, tpu.core_type = #tpu.core_type<tc>, window_params = [{transform_indices = @transform_0, window_bounds = array<i64: 1000, 128>}, {pipeline_mode = #tpu.pipeline_mode<synchronous>, transform_indices = @transform_1, window_bounds = array<i64: 128, 128>}, {pipeline_mode = #tpu.pipeline_mode<synchronous>, transform_indices = @transform_2, window_bounds = array<i64: 1, 128>}, {transform_indices = @transform_3, window_bounds = array<i64: 2, 1000, 64>}]} {
    %get3A = arith.constant 0 : index
    %get3A_0 = arith.constant 0 : index
    %get3A_1 = vector.load %arg1[%get3A, %get3A_0] : memref<1000x128xf32, #tpu.memory_space<vmem>>, vector<1000x128xf32>
    %get3A_2 = arith.constant 0 : index
    %get3A_3 = arith.constant 0 : index
    %get3A_4 = vector.load %arg2[%get3A_2, %get3A_3] : memref<128x128xf32, #tpu.memory_space<vmem>>, vector<128x128xf32>
    %dot_general3A = arith.constant dense<0.000000e+00> : vector<1000x128xf32>
    %dot_general3A_5 = tpu.matmul %get3A_1, %get3A_4, %dot_general3A {dimension_numbers = #tpu.dot_dimension_numbers<[1], [0], [0], [1], [0, 0, 1, 1], [], []>, transpose_lhs_hint = false} : vector<1000x128xf32>, vector<128x128xf32>, vector<1000x128xf32> -> vector<1000x128xf32>
    %get3A_6 = arith.constant 0 : index
    %get3A_7 = arith.constant 0 : index
    %get3A_8 = vector.load %arg3[%get3A_6, %get3A_7] : memref<1x128xf32, #tpu.memory_space<vmem>>, vector<1x128xf32>
    %add3A = vector.broadcast %get3A_8 : vector<1x128xf32> to vector<1000x128xf32>
    %add3A_9 = arith.addf %dot_general3A_5, %add3A : vector<1000x128xf32>
    %slice3A = vector.extract_strided_slice %add3A_9 {offsets = [0, 0], sizes = [1000, 64], strides = [1, 1]} : vector<1000x128xf32> to vector<1000x64xf32>
    %swap3A = arith.constant 0 : index
    %swap3A_10 = arith.constant 0 : index
    %swap3A_11 = arith.constant 0 : index
    %swap3A_12 = vector.load %arg4[%swap3A, %swap3A_10, %swap3A_11] : memref<2x1000x64xf32, #tpu.memory_space<vmem>>, vector<1x1000x64xf32>
    %swap3A_13 = vector.shape_cast %swap3A_12 : vector<1x1000x64xf32> to vector<1000x64xf32>
    %swap3A_14 = vector.shape_cast %slice3A : vector<1000x64xf32> to vector<1x1000x64xf32>
    tpu.vector_store %arg4[%swap3A, %swap3A_10, %swap3A_11], %swap3A_14 {strides = array<i32>} : memref<2x1000x64xf32, #tpu.memory_space<vmem>>, vector<1x1000x64xf32>,
    %slice3A_15 = vector.extract_strided_slice %add3A_9 {offsets = [0, 64], sizes = [1000, 64], strides = [1, 1]} : vector<1000x128xf32> to vector<1000x64xf32>
    %swap3A_16 = arith.constant 1 : index
    %swap3A_17 = arith.constant 0 : index
    %swap3A_18 = arith.constant 0 : index
    %swap3A_19 = vector.load %arg4[%swap3A_16, %swap3A_17, %swap3A_18] : memref<2x1000x64xf32, #tpu.memory_space<vmem>>, vector<1x1000x64xf32>
    %swap3A_20 = vector.shape_cast %swap3A_19 : vector<1x1000x64xf32> to vector<1000x64xf32>
    %swap3A_21 = vector.shape_cast %slice3A_15 : vector<1000x64xf32> to vector<1x1000x64xf32>
    tpu.vector_store %arg4[%swap3A_16, %swap3A_17, %swap3A_18], %swap3A_21 {strides = array<i32>} : memref<2x1000x64xf32, #tpu.memory_space<vmem>>, vector<1x1000x64xf32>,
    return
  }
  func.func @transform_0(%arg0: i32) -> (i32, i32) {
    %c0_i32 = arith.constant 0 : i32
    %c0_i32_0 = arith.constant 0 : i32
    return %arg0, %c0_i32 : i32, i32
  }
  func.func @transform_1(%arg0: i32) -> (i32, i32) {
    %c0_i32 = arith.constant 0 : i32
    %c0_i32_0 = arith.constant 0 : i32
    %c0_i32_1 = arith.constant 0 : i32
    return %c0_i32, %c0_i32_0 : i32, i32
  }
  func.func @transform_2(%arg0: i32) -> (i32, i32) {
    %c0_i32 = arith.constant 0 : i32
    %c0_i32_0 = arith.constant 0 : i32
    %c0_i32_1 = arith.constant 0 : i32
    return %c0_i32, %c0_i32_0 : i32, i32
  }
  func.func @transform_3(%arg0: i32) -> (i32, i32, i32) {
    %c0_i32 = arith.constant 0 : i32
    %c0_i32_0 = arith.constant 0 : i32
    %c0_i32_1 = arith.constant 0 : i32
    return %c0_i32, %arg0, %c0_i32_0 : i32, i32, i32
  }
}

module attributes {stable_mosaic.version = 14 : i64} {
  func.func @_gru_edge_body(%arg0: i32, %arg1: memref<2x1000x64xf32, #tpu.memory_space<vmem>>, %arg2: memref<1000x128xf32, #tpu.memory_space<vmem>>, %arg3: memref<128x384xf32, #tpu.memory_space<vmem>>, %arg4: memref<128x384xf32, #tpu.memory_space<vmem>>, %arg5: memref<1x384xf32, #tpu.memory_space<vmem>>, %arg6: memref<1x384xf32, #tpu.memory_space<vmem>>, %arg7: memref<128x128xf32, #tpu.memory_space<vmem>>, %arg8: memref<1x128xf32, #tpu.memory_space<vmem>>, %arg9: memref<1000x128xf32, #tpu.memory_space<vmem>>, %arg10: memref<2x1000x64xf32, #tpu.memory_space<vmem>>) attributes {dimension_semantics = [#tpu.dimension_semantics<arbitrary>], iteration_bounds = array<i64: 10>, scalar_prefetch = 0 : i64, scratch_operands = 0 : i64, tpu.core_type = #tpu.core_type<tc>, window_params = [{transform_indices = @transform_0, window_bounds = array<i64: 2, 1000, 64>}, {transform_indices = @transform_1, window_bounds = array<i64: 1000, 128>}, {pipeline_mode = #tpu.pipeline_mode<synchronous>, transform_indices = @transform_2, window_bounds = array<i64: 128, 384>}, {pipeline_mode = #tpu.pipeline_mode<synchronous>, transform_indices = @transform_3, window_bounds = array<i64: 128, 384>}, {pipeline_mode = #tpu.pipeline_mode<synchronous>, transform_indices = @transform_4, window_bounds = array<i64: 1, 384>}, {pipeline_mode = #tpu.pipeline_mode<synchronous>, transform_indices = @transform_5, window_bounds = array<i64: 1, 384>}, {pipeline_mode = #tpu.pipeline_mode<synchronous>, transform_indices = @transform_6, window_bounds = array<i64: 128, 128>}, {pipeline_mode = #tpu.pipeline_mode<synchronous>, transform_indices = @transform_7, window_bounds = array<i64: 1, 128>}, {transform_indices = @transform_8, window_bounds = array<i64: 1000, 128>}, {transform_indices = @transform_9, window_bounds = array<i64: 2, 1000, 64>}]} {
    %get3A = arith.constant 0 : index
    %get3A_0 = arith.constant 0 : index
    %get3A_1 = arith.constant 0 : index
    %get3A_2 = vector.load %arg1[%get3A, %get3A_0, %get3A_1] : memref<2x1000x64xf32, #tpu.memory_space<vmem>>, vector<1x1000x64xf32>
    %get3A_3 = vector.shape_cast %get3A_2 : vector<1x1000x64xf32> to vector<1000x64xf32>
    %get3A_4 = arith.constant 1 : index
    %get3A_5 = arith.constant 0 : index
    %get3A_6 = arith.constant 0 : index
    %get3A_7 = vector.load %arg1[%get3A_4, %get3A_5, %get3A_6] : memref<2x1000x64xf32, #tpu.memory_space<vmem>>, vector<1x1000x64xf32>
    %get3A_8 = vector.shape_cast %get3A_7 : vector<1x1000x64xf32> to vector<1000x64xf32>
    %get3A_9 = arith.constant 0 : index
    %get3A_10 = arith.constant 0 : index
    %get3A_11 = vector.load %arg3[%get3A_9, %get3A_10] : memref<128x384xf32, #tpu.memory_space<vmem>>, vector<128x384xf32>
    %slice3A = vector.extract_strided_slice %get3A_11 {offsets = [0, 0], sizes = [64, 384], strides = [1, 1]} : vector<128x384xf32> to vector<64x384xf32>
    %dot_general3A = arith.constant dense<0.000000e+00> : vector<1000x384xf32>
    %dot_general3A_12 = tpu.matmul %get3A_3, %slice3A, %dot_general3A {dimension_numbers = #tpu.dot_dimension_numbers<[1], [0], [0], [1], [0, 0, 1, 1], [], []>, transpose_lhs_hint = false} : vector<1000x64xf32>, vector<64x384xf32>, vector<1000x384xf32> -> vector<1000x384xf32>
    %get3A_13 = arith.constant 0 : index
    %get3A_14 = arith.constant 0 : index
    %get3A_15 = vector.load %arg3[%get3A_13, %get3A_14] : memref<128x384xf32, #tpu.memory_space<vmem>>, vector<128x384xf32>
    %slice3A_16 = vector.extract_strided_slice %get3A_15 {offsets = [64, 0], sizes = [64, 384], strides = [1, 1]} : vector<128x384xf32> to vector<64x384xf32>
    %dot_general3A_17 = arith.constant dense<0.000000e+00> : vector<1000x384xf32>
    %dot_general3A_18 = tpu.matmul %get3A_8, %slice3A_16, %dot_general3A_17 {dimension_numbers = #tpu.dot_dimension_numbers<[1], [0], [0], [1], [0, 0, 1, 1], [], []>, transpose_lhs_hint = false} : vector<1000x64xf32>, vector<64x384xf32>, vector<1000x384xf32> -> vector<1000x384xf32>
    %add3A = arith.addf %dot_general3A_12, %dot_general3A_18 : vector<1000x384xf32>
    %get3A_19 = arith.constant 0 : index
    %get3A_20 = arith.constant 0 : index
    %get3A_21 = vector.load %arg5[%get3A_19, %get3A_20] : memref<1x384xf32, #tpu.memory_space<vmem>>, vector<1x384xf32>
    %add3A_22 = vector.broadcast %get3A_21 : vector<1x384xf32> to vector<1000x384xf32>
    %add3A_23 = arith.addf %add3A, %add3A_22 : vector<1000x384xf32>
    %get3A_24 = arith.constant 0 : index
    %get3A_25 = arith.constant 0 : index
    %get3A_26 = vector.load %arg2[%get3A_24, %get3A_25] : memref<1000x128xf32, #tpu.memory_space<vmem>>, vector<1000x128xf32>
    %get3A_27 = arith.constant 0 : index
    %get3A_28 = arith.constant 0 : index
    %get3A_29 = vector.load %arg4[%get3A_27, %get3A_28] : memref<128x384xf32, #tpu.memory_space<vmem>>, vector<128x384xf32>
    %dot_general3A_30 = arith.constant dense<0.000000e+00> : vector<1000x384xf32>
    %dot_general3A_31 = tpu.matmul %get3A_26, %get3A_29, %dot_general3A_30 {dimension_numbers = #tpu.dot_dimension_numbers<[1], [0], [0], [1], [0, 0, 1, 1], [], []>, transpose_lhs_hint = false} : vector<1000x128xf32>, vector<128x384xf32>, vector<1000x384xf32> -> vector<1000x384xf32>
    %get3A_32 = arith.constant 0 : index
    %get3A_33 = arith.constant 0 : index
    %get3A_34 = vector.load %arg6[%get3A_32, %get3A_33] : memref<1x384xf32, #tpu.memory_space<vmem>>, vector<1x384xf32>
    %add3A_35 = vector.broadcast %get3A_34 : vector<1x384xf32> to vector<1000x384xf32>
    %add3A_36 = arith.addf %dot_general3A_31, %add3A_35 : vector<1000x384xf32>
    %slice3A_37 = vector.extract_strided_slice %add3A_23 {offsets = [0, 0], sizes = [1000, 128], strides = [1, 1]} : vector<1000x384xf32> to vector<1000x128xf32>
    %slice3A_38 = vector.extract_strided_slice %add3A_36 {offsets = [0, 0], sizes = [1000, 128], strides = [1, 1]} : vector<1000x384xf32> to vector<1000x128xf32>
    %add3A_39 = arith.addf %slice3A_37, %slice3A_38 : vector<1000x128xf32>
    %logistic3A = arith.negf %add3A_39 : vector<1000x128xf32>
    %logistic3A_40 = math.exp %logistic3A : vector<1000x128xf32>
    %logistic3A_41 = arith.constant 1.000000e+00 : f32
    %logistic3A_42 = vector.broadcast %logistic3A_41 : f32 to vector<1000x128xf32>
    %logistic3A_43 = arith.addf %logistic3A_42, %logistic3A_40 : vector<1000x128xf32>
    %logistic3A_44 = arith.divf %logistic3A_42, %logistic3A_43 : vector<1000x128xf32>
    %slice3A_45 = vector.extract_strided_slice %add3A_23 {offsets = [0, 128], sizes = [1000, 128], strides = [1, 1]} : vector<1000x384xf32> to vector<1000x128xf32>
    %slice3A_46 = vector.extract_strided_slice %add3A_36 {offsets = [0, 128], sizes = [1000, 128], strides = [1, 1]} : vector<1000x384xf32> to vector<1000x128xf32>
    %add3A_47 = arith.addf %slice3A_45, %slice3A_46 : vector<1000x128xf32>
    %logistic3A_48 = arith.negf %add3A_47 : vector<1000x128xf32>
    %logistic3A_49 = math.exp %logistic3A_48 : vector<1000x128xf32>
    %logistic3A_50 = arith.constant 1.000000e+00 : f32
    %logistic3A_51 = vector.broadcast %logistic3A_50 : f32 to vector<1000x128xf32>
    %logistic3A_52 = arith.addf %logistic3A_51, %logistic3A_49 : vector<1000x128xf32>
    %logistic3A_53 = arith.divf %logistic3A_51, %logistic3A_52 : vector<1000x128xf32>
    %slice3A_54 = vector.extract_strided_slice %add3A_23 {offsets = [0, 256], sizes = [1000, 128], strides = [1, 1]} : vector<1000x384xf32> to vector<1000x128xf32>
    %slice3A_55 = vector.extract_strided_slice %add3A_36 {offsets = [0, 256], sizes = [1000, 128], strides = [1, 1]} : vector<1000x384xf32> to vector<1000x128xf32>
    %mul3A = arith.mulf %logistic3A_44, %slice3A_55 : vector<1000x128xf32>
    %add3A_56 = arith.addf %slice3A_54, %mul3A : vector<1000x128xf32>
    %tanh3A = math.tanh %add3A_56 : vector<1000x128xf32>
    %sub3A = arith.constant 1.000000e+00 : f32
    %sub3A_57 = vector.broadcast %sub3A : f32 to vector<1000x128xf32>
    %sub3A_58 = arith.subf %sub3A_57, %logistic3A_53 : vector<1000x128xf32>
    %mul3A_59 = arith.mulf %sub3A_58, %tanh3A : vector<1000x128xf32>
    %mul3A_60 = arith.mulf %logistic3A_53, %get3A_26 : vector<1000x128xf32>
    %add3A_61 = arith.addf %mul3A_59, %mul3A_60 : vector<1000x128xf32>
    %swap3A = arith.constant 0 : index
    %swap3A_62 = arith.constant 0 : index
    %swap3A_63 = vector.load %arg9[%swap3A, %swap3A_62] : memref<1000x128xf32, #tpu.memory_space<vmem>>, vector<1000x128xf32>
    tpu.vector_store %arg9[%swap3A, %swap3A_62], %add3A_61 {strides = array<i32>} : memref<1000x128xf32, #tpu.memory_space<vmem>>, vector<1000x128xf32>,
    %get3A_64 = arith.constant 0 : index
    %get3A_65 = arith.constant 0 : index
    %get3A_66 = vector.load %arg7[%get3A_64, %get3A_65] : memref<128x128xf32, #tpu.memory_space<vmem>>, vector<128x128xf32>
    %dot_general3A_67 = arith.constant dense<0.000000e+00> : vector<1000x128xf32>
    %dot_general3A_68 = tpu.matmul %add3A_61, %get3A_66, %dot_general3A_67 {dimension_numbers = #tpu.dot_dimension_numbers<[1], [0], [0], [1], [0, 0, 1, 1], [], []>, transpose_lhs_hint = false} : vector<1000x128xf32>, vector<128x128xf32>, vector<1000x128xf32> -> vector<1000x128xf32>
    %get3A_69 = arith.constant 0 : index
    %get3A_70 = arith.constant 0 : index
    %get3A_71 = vector.load %arg8[%get3A_69, %get3A_70] : memref<1x128xf32, #tpu.memory_space<vmem>>, vector<1x128xf32>
    %add3A_72 = vector.broadcast %get3A_71 : vector<1x128xf32> to vector<1000x128xf32>
    %add3A_73 = arith.addf %dot_general3A_68, %add3A_72 : vector<1000x128xf32>
    %slice3A_74 = vector.extract_strided_slice %add3A_73 {offsets = [0, 0], sizes = [1000, 64], strides = [1, 1]} : vector<1000x128xf32> to vector<1000x64xf32>
    %swap3A_75 = arith.constant 0 : index
    %swap3A_76 = arith.constant 0 : index
    %swap3A_77 = arith.constant 0 : index
    %swap3A_78 = vector.load %arg10[%swap3A_75, %swap3A_76, %swap3A_77] : memref<2x1000x64xf32, #tpu.memory_space<vmem>>, vector<1x1000x64xf32>
    %swap3A_79 = vector.shape_cast %swap3A_78 : vector<1x1000x64xf32> to vector<1000x64xf32>
    %swap3A_80 = vector.shape_cast %slice3A_74 : vector<1000x64xf32> to vector<1x1000x64xf32>
    tpu.vector_store %arg10[%swap3A_75, %swap3A_76, %swap3A_77], %swap3A_80 {strides = array<i32>} : memref<2x1000x64xf32, #tpu.memory_space<vmem>>, vector<1x1000x64xf32>,
    %slice3A_81 = vector.extract_strided_slice %add3A_73 {offsets = [0, 64], sizes = [1000, 64], strides = [1, 1]} : vector<1000x128xf32> to vector<1000x64xf32>
    %swap3A_82 = arith.constant 1 : index
    %swap3A_83 = arith.constant 0 : index
    %swap3A_84 = arith.constant 0 : index
    %swap3A_85 = vector.load %arg10[%swap3A_82, %swap3A_83, %swap3A_84] : memref<2x1000x64xf32, #tpu.memory_space<vmem>>, vector<1x1000x64xf32>
    %swap3A_86 = vector.shape_cast %swap3A_85 : vector<1x1000x64xf32> to vector<1000x64xf32>
    %swap3A_87 = vector.shape_cast %slice3A_81 : vector<1000x64xf32> to vector<1x1000x64xf32>
    tpu.vector_store %arg10[%swap3A_82, %swap3A_83, %swap3A_84], %swap3A_87 {strides = array<i32>} : memref<2x1000x64xf32, #tpu.memory_space<vmem>>, vector<1x1000x64xf32>,
    return
  }
  func.func @transform_0(%arg0: i32) -> (i32, i32, i32) {
    %c0_i32 = arith.constant 0 : i32
    %c0_i32_0 = arith.constant 0 : i32
    %c0_i32_1 = arith.constant 0 : i32
    return %c0_i32, %arg0, %c0_i32_0 : i32, i32, i32
  }
  func.func @transform_1(%arg0: i32) -> (i32, i32) {
    %c0_i32 = arith.constant 0 : i32
    %c0_i32_0 = arith.constant 0 : i32
    return %arg0, %c0_i32 : i32, i32
  }
  func.func @transform_2(%arg0: i32) -> (i32, i32) {
    %c0_i32 = arith.constant 0 : i32
    %c0_i32_0 = arith.constant 0 : i32
    %c0_i32_1 = arith.constant 0 : i32
    return %c0_i32, %c0_i32_0 : i32, i32
  }
  func.func @transform_3(%arg0: i32) -> (i32, i32) {
    %c0_i32 = arith.constant 0 : i32
    %c0_i32_0 = arith.constant 0 : i32
    %c0_i32_1 = arith.constant 0 : i32
    return %c0_i32, %c0_i32_0 : i32, i32
  }
  func.func @transform_4(%arg0: i32) -> (i32, i32) {
    %c0_i32 = arith.constant 0 : i32
    %c0_i32_0 = arith.constant 0 : i32
    %c0_i32_1 = arith.constant 0 : i32
    return %c0_i32, %c0_i32_0 : i32, i32
  }
  func.func @transform_5(%arg0: i32) -> (i32, i32) {
    %c0_i32 = arith.constant 0 : i32
    %c0_i32_0 = arith.constant 0 : i32
    %c0_i32_1 = arith.constant 0 : i32
    return %c0_i32, %c0_i32_0 : i32, i32
  }
  func.func @transform_6(%arg0: i32) -> (i32, i32) {
    %c0_i32 = arith.constant 0 : i32
    %c0_i32_0 = arith.constant 0 : i32
    %c0_i32_1 = arith.constant 0 : i32
    return %c0_i32, %c0_i32_0 : i32, i32
  }
  func.func @transform_7(%arg0: i32) -> (i32, i32) {
    %c0_i32 = arith.constant 0 : i32
    %c0_i32_0 = arith.constant 0 : i32
    %c0_i32_1 = arith.constant 0 : i32
    return %c0_i32, %c0_i32_0 : i32, i32
  }
  func.func @transform_8(%arg0: i32) -> (i32, i32) {
    %c0_i32 = arith.constant 0 : i32
    %c0_i32_0 = arith.constant 0 : i32
    return %arg0, %c0_i32 : i32, i32
  }
  func.func @transform_9(%arg0: i32) -> (i32, i32, i32) {
    %c0_i32 = arith.constant 0 : i32
    %c0_i32_0 = arith.constant 0 : i32
    %c0_i32_1 = arith.constant 0 : i32
    return %c0_i32, %arg0, %c0_i32_0 : i32, i32, i32
  }
}

module attributes {stable_mosaic.version = 14 : i64} {
  func.func @_gru_fc_body(%arg0: i32, %arg1: memref<2x1000x64xf32, #tpu.memory_space<vmem>>, %arg2: memref<1000x128xf32, #tpu.memory_space<vmem>>, %arg3: memref<128x384xf32, #tpu.memory_space<vmem>>, %arg4: memref<128x384xf32, #tpu.memory_space<vmem>>, %arg5: memref<1x384xf32, #tpu.memory_space<vmem>>, %arg6: memref<1x384xf32, #tpu.memory_space<vmem>>, %arg7: memref<128x16xf32, #tpu.memory_space<vmem>>, %arg8: memref<1x16xf32, #tpu.memory_space<vmem>>, %arg9: memref<1000x16xf32, #tpu.memory_space<vmem>>) attributes {dimension_semantics = [#tpu.dimension_semantics<arbitrary>], iteration_bounds = array<i64: 10>, scalar_prefetch = 0 : i64, scratch_operands = 0 : i64, tpu.core_type = #tpu.core_type<tc>, window_params = [{transform_indices = @transform_0, window_bounds = array<i64: 2, 1000, 64>}, {transform_indices = @transform_1, window_bounds = array<i64: 1000, 128>}, {pipeline_mode = #tpu.pipeline_mode<synchronous>, transform_indices = @transform_2, window_bounds = array<i64: 128, 384>}, {pipeline_mode = #tpu.pipeline_mode<synchronous>, transform_indices = @transform_3, window_bounds = array<i64: 128, 384>}, {pipeline_mode = #tpu.pipeline_mode<synchronous>, transform_indices = @transform_4, window_bounds = array<i64: 1, 384>}, {pipeline_mode = #tpu.pipeline_mode<synchronous>, transform_indices = @transform_5, window_bounds = array<i64: 1, 384>}, {pipeline_mode = #tpu.pipeline_mode<synchronous>, transform_indices = @transform_6, window_bounds = array<i64: 128, 16>}, {pipeline_mode = #tpu.pipeline_mode<synchronous>, transform_indices = @transform_7, window_bounds = array<i64: 1, 16>}, {transform_indices = @transform_8, window_bounds = array<i64: 1000, 16>}]} {
    %get3A = arith.constant 0 : index
    %get3A_0 = arith.constant 0 : index
    %get3A_1 = arith.constant 0 : index
    %get3A_2 = vector.load %arg1[%get3A, %get3A_0, %get3A_1] : memref<2x1000x64xf32, #tpu.memory_space<vmem>>, vector<1x1000x64xf32>
    %get3A_3 = vector.shape_cast %get3A_2 : vector<1x1000x64xf32> to vector<1000x64xf32>
    %get3A_4 = arith.constant 1 : index
    %get3A_5 = arith.constant 0 : index
    %get3A_6 = arith.constant 0 : index
    %get3A_7 = vector.load %arg1[%get3A_4, %get3A_5, %get3A_6] : memref<2x1000x64xf32, #tpu.memory_space<vmem>>, vector<1x1000x64xf32>
    %get3A_8 = vector.shape_cast %get3A_7 : vector<1x1000x64xf32> to vector<1000x64xf32>
    %get3A_9 = arith.constant 0 : index
    %get3A_10 = arith.constant 0 : index
    %get3A_11 = vector.load %arg3[%get3A_9, %get3A_10] : memref<128x384xf32, #tpu.memory_space<vmem>>, vector<128x384xf32>
    %slice3A = vector.extract_strided_slice %get3A_11 {offsets = [0, 0], sizes = [64, 384], strides = [1, 1]} : vector<128x384xf32> to vector<64x384xf32>
    %dot_general3A = arith.constant dense<0.000000e+00> : vector<1000x384xf32>
    %dot_general3A_12 = tpu.matmul %get3A_3, %slice3A, %dot_general3A {dimension_numbers = #tpu.dot_dimension_numbers<[1], [0], [0], [1], [0, 0, 1, 1], [], []>, transpose_lhs_hint = false} : vector<1000x64xf32>, vector<64x384xf32>, vector<1000x384xf32> -> vector<1000x384xf32>
    %get3A_13 = arith.constant 0 : index
    %get3A_14 = arith.constant 0 : index
    %get3A_15 = vector.load %arg3[%get3A_13, %get3A_14] : memref<128x384xf32, #tpu.memory_space<vmem>>, vector<128x384xf32>
    %slice3A_16 = vector.extract_strided_slice %get3A_15 {offsets = [64, 0], sizes = [64, 384], strides = [1, 1]} : vector<128x384xf32> to vector<64x384xf32>
    %dot_general3A_17 = arith.constant dense<0.000000e+00> : vector<1000x384xf32>
    %dot_general3A_18 = tpu.matmul %get3A_8, %slice3A_16, %dot_general3A_17 {dimension_numbers = #tpu.dot_dimension_numbers<[1], [0], [0], [1], [0, 0, 1, 1], [], []>, transpose_lhs_hint = false} : vector<1000x64xf32>, vector<64x384xf32>, vector<1000x384xf32> -> vector<1000x384xf32>
    %add3A = arith.addf %dot_general3A_12, %dot_general3A_18 : vector<1000x384xf32>
    %get3A_19 = arith.constant 0 : index
    %get3A_20 = arith.constant 0 : index
    %get3A_21 = vector.load %arg5[%get3A_19, %get3A_20] : memref<1x384xf32, #tpu.memory_space<vmem>>, vector<1x384xf32>
    %add3A_22 = vector.broadcast %get3A_21 : vector<1x384xf32> to vector<1000x384xf32>
    %add3A_23 = arith.addf %add3A, %add3A_22 : vector<1000x384xf32>
    %get3A_24 = arith.constant 0 : index
    %get3A_25 = arith.constant 0 : index
    %get3A_26 = vector.load %arg2[%get3A_24, %get3A_25] : memref<1000x128xf32, #tpu.memory_space<vmem>>, vector<1000x128xf32>
    %get3A_27 = arith.constant 0 : index
    %get3A_28 = arith.constant 0 : index
    %get3A_29 = vector.load %arg4[%get3A_27, %get3A_28] : memref<128x384xf32, #tpu.memory_space<vmem>>, vector<128x384xf32>
    %dot_general3A_30 = arith.constant dense<0.000000e+00> : vector<1000x384xf32>
    %dot_general3A_31 = tpu.matmul %get3A_26, %get3A_29, %dot_general3A_30 {dimension_numbers = #tpu.dot_dimension_numbers<[1], [0], [0], [1], [0, 0, 1, 1], [], []>, transpose_lhs_hint = false} : vector<1000x128xf32>, vector<128x384xf32>, vector<1000x384xf32> -> vector<1000x384xf32>
    %get3A_32 = arith.constant 0 : index
    %get3A_33 = arith.constant 0 : index
    %get3A_34 = vector.load %arg6[%get3A_32, %get3A_33] : memref<1x384xf32, #tpu.memory_space<vmem>>, vector<1x384xf32>
    %add3A_35 = vector.broadcast %get3A_34 : vector<1x384xf32> to vector<1000x384xf32>
    %add3A_36 = arith.addf %dot_general3A_31, %add3A_35 : vector<1000x384xf32>
    %slice3A_37 = vector.extract_strided_slice %add3A_23 {offsets = [0, 0], sizes = [1000, 128], strides = [1, 1]} : vector<1000x384xf32> to vector<1000x128xf32>
    %slice3A_38 = vector.extract_strided_slice %add3A_36 {offsets = [0, 0], sizes = [1000, 128], strides = [1, 1]} : vector<1000x384xf32> to vector<1000x128xf32>
    %add3A_39 = arith.addf %slice3A_37, %slice3A_38 : vector<1000x128xf32>
    %logistic3A = arith.negf %add3A_39 : vector<1000x128xf32>
    %logistic3A_40 = math.exp %logistic3A : vector<1000x128xf32>
    %logistic3A_41 = arith.constant 1.000000e+00 : f32
    %logistic3A_42 = vector.broadcast %logistic3A_41 : f32 to vector<1000x128xf32>
    %logistic3A_43 = arith.addf %logistic3A_42, %logistic3A_40 : vector<1000x128xf32>
    %logistic3A_44 = arith.divf %logistic3A_42, %logistic3A_43 : vector<1000x128xf32>
    %slice3A_45 = vector.extract_strided_slice %add3A_23 {offsets = [0, 128], sizes = [1000, 128], strides = [1, 1]} : vector<1000x384xf32> to vector<1000x128xf32>
    %slice3A_46 = vector.extract_strided_slice %add3A_36 {offsets = [0, 128], sizes = [1000, 128], strides = [1, 1]} : vector<1000x384xf32> to vector<1000x128xf32>
    %add3A_47 = arith.addf %slice3A_45, %slice3A_46 : vector<1000x128xf32>
    %logistic3A_48 = arith.negf %add3A_47 : vector<1000x128xf32>
    %logistic3A_49 = math.exp %logistic3A_48 : vector<1000x128xf32>
    %logistic3A_50 = arith.constant 1.000000e+00 : f32
    %logistic3A_51 = vector.broadcast %logistic3A_50 : f32 to vector<1000x128xf32>
    %logistic3A_52 = arith.addf %logistic3A_51, %logistic3A_49 : vector<1000x128xf32>
    %logistic3A_53 = arith.divf %logistic3A_51, %logistic3A_52 : vector<1000x128xf32>
    %slice3A_54 = vector.extract_strided_slice %add3A_23 {offsets = [0, 256], sizes = [1000, 128], strides = [1, 1]} : vector<1000x384xf32> to vector<1000x128xf32>
    %slice3A_55 = vector.extract_strided_slice %add3A_36 {offsets = [0, 256], sizes = [1000, 128], strides = [1, 1]} : vector<1000x384xf32> to vector<1000x128xf32>
    %mul3A = arith.mulf %logistic3A_44, %slice3A_55 : vector<1000x128xf32>
    %add3A_56 = arith.addf %slice3A_54, %mul3A : vector<1000x128xf32>
    %tanh3A = math.tanh %add3A_56 : vector<1000x128xf32>
    %sub3A = arith.constant 1.000000e+00 : f32
    %sub3A_57 = vector.broadcast %sub3A : f32 to vector<1000x128xf32>
    %sub3A_58 = arith.subf %sub3A_57, %logistic3A_53 : vector<1000x128xf32>
    %mul3A_59 = arith.mulf %sub3A_58, %tanh3A : vector<1000x128xf32>
    %mul3A_60 = arith.mulf %logistic3A_53, %get3A_26 : vector<1000x128xf32>
    %add3A_61 = arith.addf %mul3A_59, %mul3A_60 : vector<1000x128xf32>
    %gt3A = arith.constant 0.000000e+00 : f32
    %gt3A_62 = vector.broadcast %gt3A : f32 to vector<1000x128xf32>
    %gt3A_63 = arith.cmpf ogt, %add3A_61, %gt3A_62 : vector<1000x128xf32>
    %min3A = arith.constant 0.000000e+00 : f32
    %min3A_64 = vector.broadcast %min3A : f32 to vector<1000x128xf32>
    %min3A_65 = arith.minimumf %add3A_61, %min3A_64 : vector<1000x128xf32>
    %exp3A = math.exp %min3A_65 : vector<1000x128xf32>
    %sub3A_66 = arith.constant 1.000000e+00 : f32
    %sub3A_67 = vector.broadcast %sub3A_66 : f32 to vector<1000x128xf32>
    %sub3A_68 = arith.subf %exp3A, %sub3A_67 : vector<1000x128xf32>
    %select_n3A = arith.select %gt3A_63, %add3A_61, %sub3A_68 : vector<1000x128xi1>, vector<1000x128xf32>
    %get3A_69 = arith.constant 0 : index
    %get3A_70 = arith.constant 0 : index
    %get3A_71 = vector.load %arg7[%get3A_69, %get3A_70] : memref<128x16xf32, #tpu.memory_space<vmem>>, vector<128x16xf32>
    %dot_general3A_72 = arith.constant dense<0.000000e+00> : vector<1000x16xf32>
    %dot_general3A_73 = tpu.matmul %select_n3A, %get3A_71, %dot_general3A_72 {dimension_numbers = #tpu.dot_dimension_numbers<[1], [0], [0], [1], [0, 0, 1, 1], [], []>, transpose_lhs_hint = false} : vector<1000x128xf32>, vector<128x16xf32>, vector<1000x16xf32> -> vector<1000x16xf32>
    %get3A_74 = arith.constant 0 : index
    %get3A_75 = arith.constant 0 : index
    %get3A_76 = vector.load %arg8[%get3A_74, %get3A_75] : memref<1x16xf32, #tpu.memory_space<vmem>>, vector<1x16xf32>
    %add3A_77 = vector.broadcast %get3A_76 : vector<1x16xf32> to vector<1000x16xf32>
    %add3A_78 = arith.addf %dot_general3A_73, %add3A_77 : vector<1000x16xf32>
    %swap3A = arith.constant 0 : index
    %swap3A_79 = arith.constant 0 : index
    %swap3A_80 = vector.load %arg9[%swap3A, %swap3A_79] : memref<1000x16xf32, #tpu.memory_space<vmem>>, vector<1000x16xf32>
    tpu.vector_store %arg9[%swap3A, %swap3A_79], %add3A_78 {strides = array<i32>} : memref<1000x16xf32, #tpu.memory_space<vmem>>, vector<1000x16xf32>,
    return
  }
  func.func @transform_0(%arg0: i32) -> (i32, i32, i32) {
    %c0_i32 = arith.constant 0 : i32
    %c0_i32_0 = arith.constant 0 : i32
    %c0_i32_1 = arith.constant 0 : i32
    return %c0_i32, %arg0, %c0_i32_0 : i32, i32, i32
  }
  func.func @transform_1(%arg0: i32) -> (i32, i32) {
    %c0_i32 = arith.constant 0 : i32
    %c0_i32_0 = arith.constant 0 : i32
    return %arg0, %c0_i32 : i32, i32
  }
  func.func @transform_2(%arg0: i32) -> (i32, i32) {
    %c0_i32 = arith.constant 0 : i32
    %c0_i32_0 = arith.constant 0 : i32
    %c0_i32_1 = arith.constant 0 : i32
    return %c0_i32, %c0_i32_0 : i32, i32
  }
  func.func @transform_3(%arg0: i32) -> (i32, i32) {
    %c0_i32 = arith.constant 0 : i32
    %c0_i32_0 = arith.constant 0 : i32
    %c0_i32_1 = arith.constant 0 : i32
    return %c0_i32, %c0_i32_0 : i32, i32
  }
  func.func @transform_4(%arg0: i32) -> (i32, i32) {
    %c0_i32 = arith.constant 0 : i32
    %c0_i32_0 = arith.constant 0 : i32
    %c0_i32_1 = arith.constant 0 : i32
    return %c0_i32, %c0_i32_0 : i32, i32
  }
  func.func @transform_5(%arg0: i32) -> (i32, i32) {
    %c0_i32 = arith.constant 0 : i32
    %c0_i32_0 = arith.constant 0 : i32
    %c0_i32_1 = arith.constant 0 : i32
    return %c0_i32, %c0_i32_0 : i32, i32
  }
  func.func @transform_6(%arg0: i32) -> (i32, i32) {
    %c0_i32 = arith.constant 0 : i32
    %c0_i32_0 = arith.constant 0 : i32
    %c0_i32_1 = arith.constant 0 : i32
    return %c0_i32, %c0_i32_0 : i32, i32
  }
  func.func @transform_7(%arg0: i32) -> (i32, i32) {
    %c0_i32 = arith.constant 0 : i32
    %c0_i32_0 = arith.constant 0 : i32
    %c0_i32_1 = arith.constant 0 : i32
    return %c0_i32, %c0_i32_0 : i32, i32
  }
  func.func @transform_8(%arg0: i32) -> (i32, i32) {
    %c0_i32 = arith.constant 0 : i32
    %c0_i32_0 = arith.constant 0 : i32
    return %arg0, %c0_i32 : i32, i32
  }
}

</mosaic_0001>

<sc_bundles>
// kernel: kernel.10.cloned.1.call-start
scs
__scs_entry_jumppad:
0x0: {  	(pc) =	sbr.rel $0x88, $3  }
0x1: {  	(tag) =	ssettag $0x0;
	lr =	simm.s32 $0x1  }
0x2: {  	[smem:$0x3F97] =	sst lr;
	_ =	strace $0xD0000000  }
0x3: {  	_ = 	snop  }
0x4: {  	_ = 	snop  }
0x5: {  	_ = 	snop  }
0x6: {  	_ = 	snop  }
0x7: {  	_ = 	snop  }
__scs_overlays_trampoline_lowered:
0x8: {  	[smem:$0x3FA6] =	sst s0  }
0x9: {  	[smem:$0x3FA7] =	sst s1  }
0xa: {  	[smem:$0x3FA8] =	sst s2  }
0xb: {  	[smem:$0x3FA9] =	sst s3  }
0xc: {  	[smem:$0x3FAA] =	sst s4  }
0xd: {  	[smem:$0x3FAB] =	sst s5  }
0xe: {  	[smem:$0x3FAC] =	sst s6  }
0xf: {  	[smem:$0x3FAD] =	sst s7  }
0x10: {  	[smem:$0x3FAE] =	sst s8  }
0x11: {  	[smem:$0x3FAF] =	sst s9;
	s0 =	simm.s32 @!p0 $0x0  }
0x12: {  	s1 =	sld [smem:$0x3F95];
	s0 =	simm.s32 @p0 $0x1  }
0x13: {  	[smem:$0x3FB0] =	sst s0;
	s0 =	simm.s32 @!p1 $0x0  }
0x14: {  	s2 =	sld [smem:$0x3F94];
	s0 =	simm.s32 @p1 $0x1  }
0x15: {  	[smem:$0x3FB1] =	sst s0;
	s0 =	simm.s32 @!p2 $0x0  }
0x16: {  	s3 =	sld [smem:$0x3FDB];
	s0 =	simm.s32 @p2 $0x1  }
0x17: {  	s4 =	simm.s32 $0x1BF5;
	[smem:$0x3FB3] =	sst s0  }
0x18: {  	s0 =	sld [smem:$0x3F96];
	_ =	swait.ge [sflag:s4], $0x0  }
0x19: {  	s7 =	sld [smem:$0x3F97]  }
0x1a: {  	s8 =	sadd.s32 $0xFFFFE003, lr  }
0x1b: {  	s9 =	sadd.s32 $0xFFFFFEF7, lr;
	s5 =	simm.s32 $0xFFFFFFFF;
	p2 =	slt.u32 s8, $0xFFFFF086  }
0x1c: {  	p1 =	slt.u32 s9, $0xF7A;
	s5 =	simm.s32 @!p2 $0x0  }
0x1d: {  	s5 =	simm.s32 @p1 $0x1;
	p0 =	seq.s32 s7, s2  }
0x1e: {  	s7 =	smul.u32 @!p0 $0xF7A, s2;
	p2 =	seq.s32 @!p0 s5, $0x0  }
0x1f: {  	s9 =	smul.u32 $0xF7A, s1;
	s8 =	simm.s32 @!p0 $0x1BF5;
	p2 =	por !p2, p0  }
0x20: {  	[sflag:s8] =	ssyncset.s32 @!p0 $0xFFFFF086;
	s6 =	sadd.s32 @!p0 s3, s7;
	s7 =	simm.s32 @!p0 $0x108  }
0x21: {  	s3 =	sadd.s32 s3, s9;
	s6 =	sadd.s32 @!p0 $0x88, s6;
	s7 =	simm.s32 @p2 $0x1082  }
0x22: {  	[simem:s7], [sflag:s8] =	dma.local @!p0 [hbm:s6], $0xF7A  }
0x23: {  	s9 =	sor.u32 $0xD0000000, s2;
	s6 =	simm.s32 $0x108;
	_ =	swait.ge @!p0 [sflag:s8], $0x0  }
0x24: {  	s3 =	sadd.s32 $0x88, s3;
	s6 =	simm.s32 @!p1 $0x1082;
	[sflag:s4] =	ssyncset.s32 $0xFFFFF086  }
0x25: {  	[simem:s6], [sflag:s4] =	dma.local [hbm:s3], $0xF7A  }
0x26: {  	[smem:$0x3F97] =	sst s1;
	(tag) =	ssettag s2;
	_ =	strace s9  }
0x27: {  	s1 =	sld [smem:$0x3FA7]  }
0x28: {  	s2 =	sld [smem:$0x3FA8]  }
0x29: {  	s4 =	sld [smem:$0x3FAA]  }
0x2a: {  	p0 =	seq.s32 s5, $0x0;
	s5 =	sld [smem:$0x3FAB]  }
0x2b: {  	s6 =	sld [smem:$0x3FAC]  }
0x2c: {  	s7 =	sld [smem:$0x3FAD]  }
0x2d: {  	s3 =	simm.s32 $0x108;
	s8 =	sld [smem:$0x3FAE]  }
0x2e: {  	s3 =	simm.s32 @!p0 $0x1082;
	s9 =	sld [smem:$0x3FAF]  }
0x2f: {  	lr =	sadd.s32 s0, s3;
	s0 =	sld [smem:$0x3FA6]  }
0x30: {  	s3 =	sld [smem:$0x3FA9]  }
0x31: {  	[smem:$0x3FB2] =	sst s10  }
0x32: {  	s10 =	sld [smem:$0x3FB0];
	_ =	sdelay $0x3  }
0x33: {  	p0 =	seq.s32 s10, $0x1;
	s10 =	sld [smem:$0x3FB2];
	_ =	sdelay $0x3  }
0x34: {  	[smem:$0x3FB2] =	sst s10  }
0x35: {  	s10 =	sld [smem:$0x3FB1];
	_ =	sdelay $0x3  }
0x36: {  	p1 =	seq.s32 s10, $0x1;
	s10 =	sld [smem:$0x3FB2];
	_ =	sdelay $0x3  }
0x37: {  	[smem:$0x3FB2] =	sst s10  }
0x38: {  	s10 =	sld [smem:$0x3FB3]  }
0x39: {  	_ = 	snop;
	(pc) =	sbr.ind lr, $3  }
0x3a: {  	_ = 	snop  }
0x3b: {  	_ = 	snop  }
0x3c: {  	p2 =	seq.s32 s10, $0x1;
	s10 =	sld [smem:$0x3FB2]  }
0x3d: {  	_ =	shalt  }
0x3e: {  	_ =	shalt  }
0x3f: {  	_ =	shalt  }
0x40: {  	_ =	shalt  }
0x41: {  	_ =	shalt  }
0x42: {  	_ =	shalt  }
0x43: {  	_ =	shalt  }
0x44: {  	_ =	shalt  }
0x45: {  	_ =	shalt  }
0x46: {  	_ =	shalt  }
0x47: {  	_ =	shalt  }
0x48: {  	_ =	shalt  }
0x49: {  	_ =	shalt  }
0x4a: {  	_ =	shalt  }
0x4b: {  	_ =	shalt  }
0x4c: {  	_ =	shalt  }
0x4d: {  	_ =	shalt  }
0x4e: {  	_ =	shalt  }
0x4f: {  	_ =	shalt  }
0x50: {  	_ =	shalt  }
0x51: {  	_ =	shalt  }
0x52: {  	_ =	shalt  }
0x53: {  	_ =	shalt  }
0x54: {  	_ =	shalt  }
0x55: {  	_ =	shalt  }
0x56: {  	_ =	shalt  }
0x57: {  	_ =	shalt  }
0x58: {  	_ =	shalt  }
0x59: {  	_ =	shalt  }
0x5a: {  	_ =	shalt  }
0x5b: {  	_ =	shalt  }
0x5c: {  	_ =	shalt  }
0x5d: {  	_ =	shalt  }
0x5e: {  	_ =	shalt  }
0x5f: {  	_ =	shalt  }
0x60: {  	_ =	shalt  }
0x61: {  	_ =	shalt  }
0x62: {  	_ =	shalt  }
0x63: {  	_ =	shalt  }
0x64: {  	_ =	shalt  }
0x65: {  	_ =	shalt  }
0x66: {  	_ =	shalt  }
0x67: {  	_ =	shalt  }
0x68: {  	_ =	shalt  }
0x69: {  	_ =	shalt  }
0x6a: {  	_ =	shalt  }
0x6b: {  	_ =	shalt  }
0x6c: {  	_ =	shalt  }
0x6d: {  	_ =	shalt  }
0x6e: {  	_ =	shalt  }
0x6f: {  	_ =	shalt  }
0x70: {  	_ =	shalt  }
0x71: {  	_ =	shalt  }
0x72: {  	_ =	shalt  }
0x73: {  	_ =	shalt  }
0x74: {  	_ =	shalt  }
0x75: {  	_ =	shalt  }
0x76: {  	_ =	shalt  }
0x77: {  	_ =	shalt  }
0x78: {  	_ =	shalt  }
0x79: {  	_ =	shalt  }
0x7a: {  	_ =	shalt  }
0x7b: {  	_ =	shalt  }
0x7c: {  	_ =	shalt  }
0x7d: {  	_ =	shalt  }
0x7e: {  	_ =	shalt  }
0x7f: {  	_ =	shalt  }
0x80: {  	_ =	shalt  }
0x81: {  	_ =	shalt  }
0x82: {  	_ =	shalt  }
0x83: {  	_ =	shalt  }
0x84: {  	_ =	shalt  }
0x85: {  	_ =	shalt  }
0x86: {  	_ =	shalt  }
0x87: {  	_ =	shalt  }
.Lfunc_end0:
.L_simem_size_0:
called_computation.1_lowered:
.L_overlay_start_0:
0x88: {  	s2 =	sld [smem:$0x3FD9]  }
0x89: {  	s3 =	sld [smem:$0x3FFE];
	_ =	sdelay $0x1  }
0x8a: {  	s1 =	srdreg.scid  }
0x8b: {  	s0 =	sand.u32 $0x1, s1  }
0x8c: {  	s16 =	sshll.u32 s0, $0xA;
	s2 =	sadd.s32 s3, s2  }
0x8d: {  	s2 =	sadd.s32 s2, s16  }
0x8e: {  	[smem:$0x3FBE] =	sst s2  }
0x8f: {  	_ = 	snop  }
0x90: {  	(tm) =	ssettm $0x1  }
0x91: {  	s17 =	sld [smem:$0x3FFB];
	_ =	sdelay $0x3  }
0x92: {  	_ =	strace s17  }
0x93: {  	s2 =	sld [smem:$0x3FFC];
	_ =	sdelay $0x3  }
0x94: {  	_ =	strace s2  }
0x95: {  	s2 =	sld [smem:$0x3FFD];
	_ =	sdelay $0x3  }
0x96: {  	_ =	strace s2  }
0x97: {  	_ =	strace $0x8FFFFFFF  }
0x98: {  	s18 =	sld [smem:$0x3FDB];
	_ =	sdelay $0x1  }
0x99: {  	s19 =	simm.s32 $_scs_section_size  }
0x9a: {  	s4 =	simm.s32 $_size__tile_overlayer_lowered;
	s5 =	simm.s32 $_tile_overlayer_lowered  }
0x9b: {  	s22 =	simm.s32 $0x1BFF;
	s21 =	sshll.u32 s5, $0x1;
	s2 =	sadd.s32 s19, s18  }
0x9c: {  	s6 =	simm.s32 $0x0;
	s20 =	sshll.u32 s4, $0x1;
	s4 =	sadd.s32 s21, s2  }
0x9d: {  	[timem:s6], [sflag:s22] =	dma.local [hbm:s4], s20  }
0x9e: {  	_ =	swait.ge [sflag:s22], s20  }
0x9f: {  	s3 =	ssub.s32 $0x0, s20;
	[sflag:s22] =	ssyncset.done $0x0  }
0xa0: {  	[sflag:s22] =	ssyncadd.s32 s3;
	_ =	sdelay $0x1  }
0xa1: {  	s23 =	simm.s32 $0x1B8B  }
0xa2: {  	_ =	swait.ge [sflag:s23], $0x1  }
0xa3: {  	[sflag:s23] =	ssyncset.done $0x0  }
0xa4: {  	s25 =	simm.s32 $0x1B8E;
	s24 =	sld [smem:$0x3FFE];
	[sflag:s23] =	ssyncadd.s32 $0xFFFFFFFF  }
0xa5: {  	s26 =	simm.s32 $execute0_lowered;
	[smem:$0x3FD2] =	sst s25  }
0xa6: {  	s4 =	sshll.u32 s26, $0x1;
	_ =	strace $0x80000049;
	[dreg:$0x1] =	wrdreg $0xFFFFFFFF  }
0xa7: {  	s28 =	simm.s32 $_size_execute0_lowered;
	s2 =	sadd.s32 s2, s4;
	[dreg:$0x0] =	wrdreg $0x0  }
0xa8: {  	s4 =	sshll.u32 s28, $0x1;
	[dreg:$0x2] =	wrdreg s2  }
0xa9: {  	[dreg:$0x3] =	wrdreg s4  }
0xaa: {  	[dreg:$0x4] =	wrdreg $0xC0  }
0xab: {  	_ =	task [dreg:s6], $0x5FFFF  }
0xac: {  	[dreg:$0x1] =	wrdreg $0xFFFFFFFF  }
0xad: {  	[dreg:$0x0] =	wrdreg $0x60  }
0xae: {  	[dreg:$0x2] =	wrdreg s24  }
0xaf: {  	[dreg:$0x3] =	wrdreg $0x15D400  }
0xb0: {  	[dreg:$0x4] =	wrdreg $0x9  }
0xb1: {  	_ =	task.clear_ibuf [dreg:s6], $0x5FFFF;
	_ =	strace $0x90000049  }
0xb2: {  	s29 =	simm.s32 $0x9;
	_ =	strace $0x8000004B  }
0xb3: {  	_ =	swait.ge [sflag:s29], $0x1  }
0xb4: {  	[sflag:s29] =	ssyncadd.s32 $0xFFFFFFFF  }
0xb5: {  	_ =	strace $0x9000004B  }
0xb6: {  	_ =	sfence  }
0xb7: {  	s30 =	sld [smem:$0x0];
	_ =	sdelay $0x2  }
0xb8: {  	s31 =	sshll.u32 s1, $0xD;
	s1 =	sshrl.u32 s1, $0x2  }
0xb9: {  	s3 =	sand.u32 $0x4000, s31;
	s1 =	sadd.s32 s1, s30  }
0xba: {  	s0 =	sor.u32 s3, s0;
	s1 =	sshll.u32 s1, $0x11  }
0xbb: {  	s0 =	sor.u32 s1, s0  }
0xbc: {  	s0 =	sadd.s32 $0x8F2B, s0  }
0xbd: {  	[sflag:s0] =	ssyncadd.remote.s32 $0x1  }
0xbe: {  	_ =	sfence.sel $0xFFFF  }
0xbf: {  	[dreg:$0x0] =	wrdreg $0xFFFFFFFF;
	(pc) =	sbr.abs _section_cstart, $3  }
0xc0: {  	[dreg:$0x1] =	wrdreg $0xFFFFFFFF  }
0xc1: {  	_ =	task.clear_ibuf [dreg:s6], $0x2FFFF;
	_ =	strace $0x9FFFFFFF  }
0xc2: {  	(tm) =	ssettm $0x7FFFFFFF  }
0xc3: {  	_ =	shalt  }
tec
execute0_lowered:
.L_overlay_start_1:
0x0: {  	(tag) =	ssettag $0x1  }
0x1: {  	s4 =	rddreg [dreg:$0x0];
	s0 =	srdreg.scid  }
0x2: {  	s2 =	rddreg [dreg:$0x1];
	s1 =	stileid.u32  }
0x3: {  	s3 =	simm.s32 $0x0;
	s12 =	simm.s32 $0xBF40;
	s13 =	simm.s32 $0x7D  }
0x4: {  	s14 =	simm.s32 $0xA000;
	s15 =	simm.s32 $0x1;
	s7 =	smul.u32 $0x9E00, s1  }
0x5: {  	s5 =	sand.u32 $0x1, s0;
	s0 =	rddreg [dreg:$0x2];
	s9 =	smul.u32 $0xA00, s1  }
0x6: {  	s18 =	simm.s32 $0x0;
	[smem:$0x7FF] =	sst s3;
	s6 =	smul.u32 $0x13880, s5  }
0x7: {  	s16 =	sshll.u32 s1, $0x6;
	s8 =	smul.u32 $0x9E000, s5;
	_ =	strace $0x8000004A  }
0x8: {  	s5 =	ssub.s32 $0x2, s5;
	s16 =	sor.u32 $0x1C02, s16;
	s30 =	sadd.s32 s9, s4  }
0x9: {  	s31 =	sshrl.u32 s5, $0x1;
	s10 =	sadd.s32 s6, s4;
	s29 =	sadd.s32 s7, s8  }
0xa: {  	s9 =	ssub.s32 s5, s31;
	s5 =	sadd.s32 $0x1A00, s30;
	s6 =	sshrl.u32 s29, $0x3  }
0xb: {  	s9 =	smax.u32 s9, $0x1;
	s11 =	sadd.s32 s6, s4;
	s4 =	sadd.s32 $0xBA00, s30  }
0xc: {  	s6 =	sadd.s32 s7, s2;
	s7 =	sadd.s32 $0x15A00, s10;
	s10 =	simm.s32 $0x2  }
0xd: {  	v0 =	vimm.f32 $0.0e+00;
	s8 =	sadd.s32 $0x3CC00, s11;
	s11 =	simm.s32 $0x5000;
	s17 =	sshrl.u32 s6, $0x3  }
.LBB2_1:
0xe: {  	[tilespmem:s3], [sflag:$0x2] =	stream.linear.gather [hbm4b:s4+s3], $0x5000, $0x38;
	[tilespmem:$0x1FB40] =	vst v63  }
0xf: {  	_ =	swait.ge [sflag:s10], $0x5000  }
0x10: {  	[sflag:s10] =	ssyncset.done $0x0  }
0x11: {  	[sflag:s10] =	ssyncadd.s32 $0xFFFFB000  }
0x12: {  	[tilespmem:s11], [sflag:$0x2] =	stream.linear.gather [hbm4b:s5+s3], $0x5000, $0x38;
	[tilespmem:$0x1FB40] =	vst v63  }
0x13: {  	_ =	swait.ge [sflag:s10], $0x5000  }
0x14: {  	[sflag:s10] =	ssyncset.done $0x0  }
0x15: {  	s20 =	simm.s32 $0x100;
	s19 =	simm.s32 $0x0;
	[sflag:s10] =	ssyncadd.s32 $0xFFFFB000  }
.LBB2_2:
0x16: {  	p0 =	sne.s32 s20, $0x27700;
	[tilespmem:s19+$0xBF70] =	vst v0;
	s21 =	smov.u32 s20;
	s20 =	sadd.s32 $0x100, s20  }
.Ltmp0:
0x17: {  	[tilespmem:s19+$0xBF60] =	vst v0;
	(pc) =	sbr.rel @p0 .LBB2_2-.Ltmp0, $3  }
0x18: {  	[tilespmem:s19+$0xBF40] =	vst v0  }
0x19: {  	[tilespmem:s19+$0xBF50] =	vst v0;
	_ =	sdelay $0x1  }
0x1a: {  	s19 =	sshra.s32 s21, $0x2  }
0x1b: {  	[tilespmem:s19+$0xBF70] =	vst v0  }
0x1c: {  	[tilespmem:s19+$0xBF60] =	vst v0  }
0x1d: {  	[tilespmem:s19+$0xBF40] =	vst v0  }
0x1e: {  	[tilespmem:s19+$0xBF50] =	vst v0  }
0x1f: {  	[spmem:s6] =	stream.linear.scatter [tilespmem:s12], [sflag:$0x2], $0x9E00, $0x38;
	[tilespmem:$0x1FB40] =	vst v63  }
0x20: {  	_ =	swait.ge [sflag:s10], $0x9E00  }
0x21: {  	[sflag:s10] =	ssyncset.done $0x0  }
0x22: {  	[sflag:s10] =	ssyncadd.s32 $0xFFFF6200  }
0x23: {  	s30 =	simm.s32 $0x0;
	[bflag:$0x0] =	sbarrier.arrive $0xFFFF  }
0x24: {  	[tilespmem:s14], [sflag:$0x1] =	stream.indirect.gather [hbm4b:s7+s13], $0x40, s30, s13, $0xb8;
	[tilespmem:$0x1FB40] =	vst v63  }
0x25: {  	_ =	swait.ge [sflag:s15], $0x1F40  }
0x26: {  	[sflag:s15] =	ssyncset.done $0x0  }
0x27: {  	s31 =	simm.s32 $0x5000;
	[sflag:s15] =	ssyncadd.s32 $0xFFFFE0C0  }
0x28: {  	[spmem:s2] =	stream.indirect.scatter.add.f32 [tilespmem:s14], [sflag:$0x2], $0x40, s31, s13, $0xb8;
	[tilespmem:$0x1FB40] =	vst v63  }
0x29: {  	_ =	swait.ge [sflag:s10], $0x1F40  }
0x2a: {  	s19 =	simm.s32 $0x200;
	s20 =	simm.s32 $0x400;
	[sflag:s10] =	ssyncset.done $0x0  }
.LBB2_4:
0x2b: {  	s21 =	sshra.s32 s19, $0x2  }
0x2c: {  	[sflag:s10] =	ssyncadd.s32 $0xFFFFE0C0;
	s19 =	smov.u32 s20;
	s22 =	sadd.s32 $0x200, s20  }
0x2d: {  	[tilespmem:s14], [sflag:$0x1] =	stream.indirect.gather [hbm4b:s7+s13], $0x40, s21, s13, $0xb8;
	[tilespmem:$0x1FB40] =	vst v63  }
0x2e: {  	p0 =	sne.s32 s20, $0x13E00;
	_ =	swait.ge [sflag:s15], $0x1F40  }
.Ltmp1:
0x2f: {  	[sflag:s15] =	ssyncset.done $0x0;
	(pc) =	sbr.rel @p0 .LBB2_4-.Ltmp1, $4  }
0x30: {  	s20 =	sadd.s32 $0x5000, s21;
	[sflag:s15] =	ssyncadd.s32 $0xFFFFE0C0  }
0x31: {  	[spmem:s2] =	stream.indirect.scatter.add.f32 [tilespmem:s14], [sflag:$0x2], $0x40, s20, s13, $0xb8;
	[tilespmem:$0x1FB40] =	vst v63  }
0x32: {  	_ =	swait.ge [sflag:s10], $0x1F40  }
0x33: {  	s20 =	smov.u32 s22;
	[sflag:s10] =	ssyncset.done $0x0  }
0x34: {  	s19 =	sshra.s32 s19, $0x2;
	[sflag:s10] =	ssyncadd.s32 $0xFFFFE0C0  }
0x35: {  	[tilespmem:s14], [sflag:$0x1] =	stream.indirect.gather [hbm4b:s7+s13], $0x40, s19, s13, $0xb8;
	[tilespmem:$0x1FB40] =	vst v63  }
0x36: {  	_ =	swait.ge [sflag:s15], $0x1F40  }
0x37: {  	[sflag:s15] =	ssyncset.done $0x0  }
0x38: {  	s19 =	sadd.s32 $0x5000, s19;
	[sflag:s15] =	ssyncadd.s32 $0xFFFFE0C0  }
0x39: {  	[spmem:s2] =	stream.indirect.scatter.add.f32 [tilespmem:s14], [sflag:$0x2], $0x40, s19, s13, $0xb8;
	[tilespmem:$0x1FB40] =	vst v63  }
0x3a: {  	_ =	swait.ge [sflag:s10], $0x1F40  }
0x3b: {  	s18 =	sadd.s32 $0x1, s18;
	[sflag:s10] =	ssyncset.done $0x0  }
0x3c: {  	p0 =	sne.s32 s18, s9;
	[sflag:s10] =	ssyncadd.s32 $0xFFFFE0C0  }
.Ltmp2:
0x3d: {  	[bflag:$0x0] =	sbarrier.arrive $0xFFFF;
	(pc) =	sbr.rel @p0 .LBB2_1-.Ltmp2, $4  }
0x3e: {  	[hbm:s8], [sflag:s16] =	dma.local [spmem:s17], $0x13C0  }
0x3f: {  	_ =	swait.ge [sflag:s10], $0x13C0  }
0x40: {  	[sflag:s10] =	ssyncset.done $0x0  }
0x41: {  	[sflag:s10] =	ssyncadd.s32 $0xFFFFEC40  }
0x42: {  	_ =	sfence.sel $0x180000  }
0x43: {  	[bflag:$0x0] =	sbarrier.arrive $0xFFFF  }
0x44: {  	p0 =	sne.s32 s1, $0x0;
	_ =	strace $0x9000004A  }
0x45: {  	s0 =	sadd.s32 @!p0 $0x100000, s0;
	[bflag:$0x2] =	sbarrier.arrive $0xFFFF  }
0x46: {  	[sflag:s0] =	ssyncadd.tile.s32 @!p0 $0x1;
	_ =	shalt  }
.Lfunc_end2:
_tile_overlayer_lowered:
.L_overlay_start_2:
0x47: {  	(tag) =	ssettag $0x2  }
0x48: {  	s0 =	rddreg [dreg:$0x0];
	s2 =	stileid.u32  }
0x49: {  	s1 =	rddreg [dreg:$0x1];
	p0 =	sne.s32 s2, $0x0  }
0x4a: {  	s3 =	rddreg [dreg:$0x2];
	[bflag:$0x3] =	sbarrier.arrive $0xFFFF;
	s2 =	simm.s32 @!p0 $0x1C02  }
0x4b: {  	[timem:s3], [sflag:s2] =	dma.local @!p0 [hbm:s0], s1  }
0x4c: {  	s0 =	simm.s32 @!p0 $0x2  }
0x4d: {  	_ =	swait.ge @!p0 [sflag:s0], s1  }
0x4e: {  	s1 =	ssub.s32 @!p0 $0x0, s1;
	[sflag:s0] =	ssyncset.done @!p0 $0x0  }
0x4f: {  	[sflag:s0] =	ssyncadd.s32 @!p0 s1  }
0x50: {  	[bflag:$0x3] =	sbarrier.arrive $0xFFFF  }
0x51: {  	_ =	shalt  }

// kernel: kernel.7.cloned.1.call-start
scs
__scs_entry_jumppad:
0x0: {  	(pc) =	sbr.rel $0x88, $3  }
0x1: {  	(tag) =	ssettag $0x0;
	lr =	simm.s32 $0x1  }
0x2: {  	[smem:$0x3F97] =	sst lr;
	_ =	strace $0xD0000000  }
0x3: {  	_ = 	snop  }
0x4: {  	_ = 	snop  }
0x5: {  	_ = 	snop  }
0x6: {  	_ = 	snop  }
0x7: {  	_ = 	snop  }
__scs_overlays_trampoline_lowered:
0x8: {  	[smem:$0x3FA6] =	sst s0  }
0x9: {  	[smem:$0x3FA7] =	sst s1  }
0xa: {  	[smem:$0x3FA8] =	sst s2  }
0xb: {  	[smem:$0x3FA9] =	sst s3  }
0xc: {  	[smem:$0x3FAA] =	sst s4  }
0xd: {  	[smem:$0x3FAB] =	sst s5  }
0xe: {  	[smem:$0x3FAC] =	sst s6  }
0xf: {  	[smem:$0x3FAD] =	sst s7  }
0x10: {  	[smem:$0x3FAE] =	sst s8  }
0x11: {  	[smem:$0x3FAF] =	sst s9;
	s0 =	simm.s32 @!p0 $0x0  }
0x12: {  	s1 =	sld [smem:$0x3F95];
	s0 =	simm.s32 @p0 $0x1  }
0x13: {  	[smem:$0x3FB0] =	sst s0;
	s0 =	simm.s32 @!p1 $0x0  }
0x14: {  	s2 =	sld [smem:$0x3F94];
	s0 =	simm.s32 @p1 $0x1  }
0x15: {  	[smem:$0x3FB1] =	sst s0;
	s0 =	simm.s32 @!p2 $0x0  }
0x16: {  	s3 =	sld [smem:$0x3FDB];
	s0 =	simm.s32 @p2 $0x1  }
0x17: {  	s4 =	simm.s32 $0x1BF5;
	[smem:$0x3FB3] =	sst s0  }
0x18: {  	s0 =	sld [smem:$0x3F96];
	_ =	swait.ge [sflag:s4], $0x0  }
0x19: {  	s7 =	sld [smem:$0x3F97]  }
0x1a: {  	s8 =	sadd.s32 $0xFFFFE003, lr  }
0x1b: {  	s9 =	sadd.s32 $0xFFFFFEF7, lr;
	s5 =	simm.s32 $0xFFFFFFFF;
	p2 =	slt.u32 s8, $0xFFFFF086  }
0x1c: {  	p1 =	slt.u32 s9, $0xF7A;
	s5 =	simm.s32 @!p2 $0x0  }
0x1d: {  	s5 =	simm.s32 @p1 $0x1;
	p0 =	seq.s32 s7, s2  }
0x1e: {  	s7 =	smul.u32 @!p0 $0xF7A, s2;
	p2 =	seq.s32 @!p0 s5, $0x0  }
0x1f: {  	s9 =	smul.u32 $0xF7A, s1;
	s8 =	simm.s32 @!p0 $0x1BF5;
	p2 =	por !p2, p0  }
0x20: {  	[sflag:s8] =	ssyncset.s32 @!p0 $0xFFFFF086;
	s6 =	sadd.s32 @!p0 s3, s7;
	s7 =	simm.s32 @!p0 $0x108  }
0x21: {  	s3 =	sadd.s32 s3, s9;
	s6 =	sadd.s32 @!p0 $0x88, s6;
	s7 =	simm.s32 @p2 $0x1082  }
0x22: {  	[simem:s7], [sflag:s8] =	dma.local @!p0 [hbm:s6], $0xF7A  }
0x23: {  	s9 =	sor.u32 $0xD0000000, s2;
	s6 =	simm.s32 $0x108;
	_ =	swait.ge @!p0 [sflag:s8], $0x0  }
0x24: {  	s3 =	sadd.s32 $0x88, s3;
	s6 =	simm.s32 @!p1 $0x1082;
	[sflag:s4] =	ssyncset.s32 $0xFFFFF086  }
0x25: {  	[simem:s6], [sflag:s4] =	dma.local [hbm:s3], $0xF7A  }
0x26: {  	[smem:$0x3F97] =	sst s1;
	(tag) =	ssettag s2;
	_ =	strace s9  }
0x27: {  	s1 =	sld [smem:$0x3FA7]  }
0x28: {  	s2 =	sld [smem:$0x3FA8]  }
0x29: {  	s4 =	sld [smem:$0x3FAA]  }
0x2a: {  	p0 =	seq.s32 s5, $0x0;
	s5 =	sld [smem:$0x3FAB]  }
0x2b: {  	s6 =	sld [smem:$0x3FAC]  }
0x2c: {  	s7 =	sld [smem:$0x3FAD]  }
0x2d: {  	s3 =	simm.s32 $0x108;
	s8 =	sld [smem:$0x3FAE]  }
0x2e: {  	s3 =	simm.s32 @!p0 $0x1082;
	s9 =	sld [smem:$0x3FAF]  }
0x2f: {  	lr =	sadd.s32 s0, s3;
	s0 =	sld [smem:$0x3FA6]  }
0x30: {  	s3 =	sld [smem:$0x3FA9]  }
0x31: {  	[smem:$0x3FB2] =	sst s10  }
0x32: {  	s10 =	sld [smem:$0x3FB0];
	_ =	sdelay $0x3  }
0x33: {  	p0 =	seq.s32 s10, $0x1;
	s10 =	sld [smem:$0x3FB2];
	_ =	sdelay $0x3  }
0x34: {  	[smem:$0x3FB2] =	sst s10  }
0x35: {  	s10 =	sld [smem:$0x3FB1];
	_ =	sdelay $0x3  }
0x36: {  	p1 =	seq.s32 s10, $0x1;
	s10 =	sld [smem:$0x3FB2];
	_ =	sdelay $0x3  }
0x37: {  	[smem:$0x3FB2] =	sst s10  }
0x38: {  	s10 =	sld [smem:$0x3FB3]  }
0x39: {  	_ = 	snop;
	(pc) =	sbr.ind lr, $3  }
0x3a: {  	_ = 	snop  }
0x3b: {  	_ = 	snop  }
0x3c: {  	p2 =	seq.s32 s10, $0x1;
	s10 =	sld [smem:$0x3FB2]  }
0x3d: {  	_ =	shalt  }
0x3e: {  	_ =	shalt  }
0x3f: {  	_ =	shalt  }
0x40: {  	_ =	shalt  }
0x41: {  	_ =	shalt  }
0x42: {  	_ =	shalt  }
0x43: {  	_ =	shalt  }
0x44: {  	_ =	shalt  }
0x45: {  	_ =	shalt  }
0x46: {  	_ =	shalt  }
0x47: {  	_ =	shalt  }
0x48: {  	_ =	shalt  }
0x49: {  	_ =	shalt  }
0x4a: {  	_ =	shalt  }
0x4b: {  	_ =	shalt  }
0x4c: {  	_ =	shalt  }
0x4d: {  	_ =	shalt  }
0x4e: {  	_ =	shalt  }
0x4f: {  	_ =	shalt  }
0x50: {  	_ =	shalt  }
0x51: {  	_ =	shalt  }
0x52: {  	_ =	shalt  }
0x53: {  	_ =	shalt  }
0x54: {  	_ =	shalt  }
0x55: {  	_ =	shalt  }
0x56: {  	_ =	shalt  }
0x57: {  	_ =	shalt  }
0x58: {  	_ =	shalt  }
0x59: {  	_ =	shalt  }
0x5a: {  	_ =	shalt  }
0x5b: {  	_ =	shalt  }
0x5c: {  	_ =	shalt  }
0x5d: {  	_ =	shalt  }
0x5e: {  	_ =	shalt  }
0x5f: {  	_ =	shalt  }
0x60: {  	_ =	shalt  }
0x61: {  	_ =	shalt  }
0x62: {  	_ =	shalt  }
0x63: {  	_ =	shalt  }
0x64: {  	_ =	shalt  }
0x65: {  	_ =	shalt  }
0x66: {  	_ =	shalt  }
0x67: {  	_ =	shalt  }
0x68: {  	_ =	shalt  }
0x69: {  	_ =	shalt  }
0x6a: {  	_ =	shalt  }
0x6b: {  	_ =	shalt  }
0x6c: {  	_ =	shalt  }
0x6d: {  	_ =	shalt  }
0x6e: {  	_ =	shalt  }
0x6f: {  	_ =	shalt  }
0x70: {  	_ =	shalt  }
0x71: {  	_ =	shalt  }
0x72: {  	_ =	shalt  }
0x73: {  	_ =	shalt  }
0x74: {  	_ =	shalt  }
0x75: {  	_ =	shalt  }
0x76: {  	_ =	shalt  }
0x77: {  	_ =	shalt  }
0x78: {  	_ =	shalt  }
0x79: {  	_ =	shalt  }
0x7a: {  	_ =	shalt  }
0x7b: {  	_ =	shalt  }
0x7c: {  	_ =	shalt  }
0x7d: {  	_ =	shalt  }
0x7e: {  	_ =	shalt  }
0x7f: {  	_ =	shalt  }
0x80: {  	_ =	shalt  }
0x81: {  	_ =	shalt  }
0x82: {  	_ =	shalt  }
0x83: {  	_ =	shalt  }
0x84: {  	_ =	shalt  }
0x85: {  	_ =	shalt  }
0x86: {  	_ =	shalt  }
0x87: {  	_ =	shalt  }
.Lfunc_end0:
.L_simem_size_0:
called_computation_lowered:
.L_overlay_start_0:
0x88: {  	s2 =	sld [smem:$0x3FD9]  }
0x89: {  	s3 =	sld [smem:$0x3FFE];
	_ =	sdelay $0x1  }
0x8a: {  	s1 =	srdreg.scid  }
0x8b: {  	s0 =	sand.u32 $0x1, s1  }
0x8c: {  	s16 =	sshll.u32 s0, $0xA;
	s2 =	sadd.s32 s3, s2  }
0x8d: {  	s2 =	sadd.s32 s2, s16  }
0x8e: {  	[smem:$0x3FBE] =	sst s2  }
0x8f: {  	_ = 	snop  }
0x90: {  	(tm) =	ssettm $0x1  }
0x91: {  	s17 =	sld [smem:$0x3FFB];
	_ =	sdelay $0x3  }
0x92: {  	_ =	strace s17  }
0x93: {  	s2 =	sld [smem:$0x3FFC];
	_ =	sdelay $0x3  }
0x94: {  	_ =	strace s2  }
0x95: {  	s2 =	sld [smem:$0x3FFD];
	_ =	sdelay $0x3  }
0x96: {  	_ =	strace s2  }
0x97: {  	_ =	strace $0x8FFFFFFF  }
0x98: {  	s18 =	sld [smem:$0x3FDB];
	_ =	sdelay $0x1  }
0x99: {  	s19 =	simm.s32 $_scs_section_size  }
0x9a: {  	s4 =	simm.s32 $_size__tile_overlayer_lowered;
	s5 =	simm.s32 $_tile_overlayer_lowered  }
0x9b: {  	s22 =	simm.s32 $0x1BFF;
	s21 =	sshll.u32 s5, $0x1;
	s2 =	sadd.s32 s19, s18  }
0x9c: {  	s6 =	simm.s32 $0x0;
	s20 =	sshll.u32 s4, $0x1;
	s4 =	sadd.s32 s21, s2  }
0x9d: {  	[timem:s6], [sflag:s22] =	dma.local [hbm:s4], s20  }
0x9e: {  	_ =	swait.ge [sflag:s22], s20  }
0x9f: {  	s3 =	ssub.s32 $0x0, s20;
	[sflag:s22] =	ssyncset.done $0x0  }
0xa0: {  	[sflag:s22] =	ssyncadd.s32 s3;
	_ =	sdelay $0x1  }
0xa1: {  	s23 =	simm.s32 $0x1B8B  }
0xa2: {  	_ =	swait.ge [sflag:s23], $0x1  }
0xa3: {  	[sflag:s23] =	ssyncset.done $0x0  }
0xa4: {  	s25 =	simm.s32 $0x1B8E;
	s24 =	sld [smem:$0x3FFE];
	[sflag:s23] =	ssyncadd.s32 $0xFFFFFFFF  }
0xa5: {  	s26 =	simm.s32 $execute0_lowered;
	[smem:$0x3FD2] =	sst s25  }
0xa6: {  	s4 =	sshll.u32 s26, $0x1;
	_ =	strace $0x80000046;
	[dreg:$0x1] =	wrdreg $0xFFFFFFFF  }
0xa7: {  	s28 =	simm.s32 $_size_execute0_lowered;
	s2 =	sadd.s32 s2, s4;
	[dreg:$0x0] =	wrdreg $0x0  }
0xa8: {  	s4 =	sshll.u32 s28, $0x1;
	[dreg:$0x2] =	wrdreg s2  }
0xa9: {  	[dreg:$0x3] =	wrdreg s4  }
0xaa: {  	[dreg:$0x4] =	wrdreg $0xC0  }
0xab: {  	_ =	task [dreg:s6], $0x5FFFF  }
0xac: {  	[dreg:$0x1] =	wrdreg $0xFFFFFFFF  }
0xad: {  	[dreg:$0x0] =	wrdreg $0x60  }
0xae: {  	[dreg:$0x2] =	wrdreg s24  }
0xaf: {  	[dreg:$0x3] =	wrdreg $0x15D400  }
0xb0: {  	[dreg:$0x4] =	wrdreg $0x9  }
0xb1: {  	_ =	task.clear_ibuf [dreg:s6], $0x5FFFF;
	_ =	strace $0x90000046  }
0xb2: {  	s29 =	simm.s32 $0x9;
	_ =	strace $0x80000048  }
0xb3: {  	_ =	swait.ge [sflag:s29], $0x1  }
0xb4: {  	[sflag:s29] =	ssyncadd.s32 $0xFFFFFFFF  }
0xb5: {  	_ =	strace $0x90000048  }
0xb6: {  	_ =	sfence  }
0xb7: {  	s30 =	sld [smem:$0x0];
	_ =	sdelay $0x2  }
0xb8: {  	s31 =	sshll.u32 s1, $0xD;
	s1 =	sshrl.u32 s1, $0x2  }
0xb9: {  	s3 =	sand.u32 $0x4000, s31;
	s1 =	sadd.s32 s1, s30  }
0xba: {  	s0 =	sor.u32 s3, s0;
	s1 =	sshll.u32 s1, $0x11  }
0xbb: {  	s0 =	sor.u32 s1, s0  }
0xbc: {  	s0 =	sadd.s32 $0x8F2B, s0  }
0xbd: {  	[sflag:s0] =	ssyncadd.remote.s32 $0x1  }
0xbe: {  	_ =	sfence.sel $0xFFFF  }
0xbf: {  	[dreg:$0x0] =	wrdreg $0xFFFFFFFF;
	(pc) =	sbr.abs _section_cstart, $3  }
0xc0: {  	[dreg:$0x1] =	wrdreg $0xFFFFFFFF  }
0xc1: {  	_ =	task.clear_ibuf [dreg:s6], $0x2FFFF;
	_ =	strace $0x9FFFFFFF  }
0xc2: {  	(tm) =	ssettm $0x7FFFFFFF  }
0xc3: {  	_ =	shalt  }
tec
execute0_lowered:
.L_overlay_start_1:
0x0: {  	(tag) =	ssettag $0x1  }
0x1: {  	s4 =	rddreg [dreg:$0x0];
	s0 =	srdreg.scid  }
0x2: {  	s2 =	rddreg [dreg:$0x1];
	s1 =	stileid.u32  }
0x3: {  	s3 =	simm.s32 $0x0;
	s12 =	simm.s32 $0xBF40;
	s13 =	simm.s32 $0x7D  }
0x4: {  	s14 =	simm.s32 $0xA000;
	s15 =	simm.s32 $0x1;
	s7 =	smul.u32 $0x9E00, s1  }
0x5: {  	s5 =	sand.u32 $0x1, s0;
	s0 =	rddreg [dreg:$0x2];
	s9 =	smul.u32 $0xA00, s1  }
0x6: {  	s18 =	simm.s32 $0x0;
	[smem:$0x7FF] =	sst s3;
	s6 =	smul.u32 $0x13880, s5  }
0x7: {  	s16 =	sshll.u32 s1, $0x6;
	s8 =	smul.u32 $0x9E000, s5;
	_ =	strace $0x80000047  }
0x8: {  	s5 =	ssub.s32 $0x2, s5;
	s16 =	sor.u32 $0x1C02, s16;
	s30 =	sadd.s32 s9, s4  }
0x9: {  	s31 =	sshrl.u32 s5, $0x1;
	s10 =	sadd.s32 s6, s4;
	s29 =	sadd.s32 s7, s8  }
0xa: {  	s9 =	ssub.s32 s5, s31;
	s5 =	sadd.s32 $0x1A00, s30;
	s6 =	sshrl.u32 s29, $0x3  }
0xb: {  	s9 =	smax.u32 s9, $0x1;
	s11 =	sadd.s32 s6, s4;
	s4 =	sadd.s32 $0xBA00, s30  }
0xc: {  	s6 =	sadd.s32 s7, s2;
	s7 =	sadd.s32 $0x15A00, s10;
	s10 =	simm.s32 $0x2  }
0xd: {  	v0 =	vimm.f32 $0.0e+00;
	s8 =	sadd.s32 $0x3CC00, s11;
	s11 =	simm.s32 $0x5000;
	s17 =	sshrl.u32 s6, $0x3  }
.LBB2_1:
0xe: {  	[tilespmem:s3], [sflag:$0x2] =	stream.linear.gather [hbm4b:s4+s3], $0x5000, $0x38;
	[tilespmem:$0x1FB40] =	vst v63  }
0xf: {  	_ =	swait.ge [sflag:s10], $0x5000  }
0x10: {  	[sflag:s10] =	ssyncset.done $0x0  }
0x11: {  	[sflag:s10] =	ssyncadd.s32 $0xFFFFB000  }
0x12: {  	[tilespmem:s11], [sflag:$0x2] =	stream.linear.gather [hbm4b:s5+s3], $0x5000, $0x38;
	[tilespmem:$0x1FB40] =	vst v63  }
0x13: {  	_ =	swait.ge [sflag:s10], $0x5000  }
0x14: {  	[sflag:s10] =	ssyncset.done $0x0  }
0x15: {  	s20 =	simm.s32 $0x100;
	s19 =	simm.s32 $0x0;
	[sflag:s10] =	ssyncadd.s32 $0xFFFFB000  }
.LBB2_2:
0x16: {  	p0 =	sne.s32 s20, $0x27700;
	[tilespmem:s19+$0xBF70] =	vst v0;
	s21 =	smov.u32 s20;
	s20 =	sadd.s32 $0x100, s20  }
.Ltmp0:
0x17: {  	[tilespmem:s19+$0xBF60] =	vst v0;
	(pc) =	sbr.rel @p0 .LBB2_2-.Ltmp0, $3  }
0x18: {  	[tilespmem:s19+$0xBF40] =	vst v0  }
0x19: {  	[tilespmem:s19+$0xBF50] =	vst v0;
	_ =	sdelay $0x1  }
0x1a: {  	s19 =	sshra.s32 s21, $0x2  }
0x1b: {  	[tilespmem:s19+$0xBF70] =	vst v0  }
0x1c: {  	[tilespmem:s19+$0xBF60] =	vst v0  }
0x1d: {  	[tilespmem:s19+$0xBF40] =	vst v0  }
0x1e: {  	[tilespmem:s19+$0xBF50] =	vst v0  }
0x1f: {  	[spmem:s6] =	stream.linear.scatter [tilespmem:s12], [sflag:$0x2], $0x9E00, $0x38;
	[tilespmem:$0x1FB40] =	vst v63  }
0x20: {  	_ =	swait.ge [sflag:s10], $0x9E00  }
0x21: {  	[sflag:s10] =	ssyncset.done $0x0  }
0x22: {  	[sflag:s10] =	ssyncadd.s32 $0xFFFF6200  }
0x23: {  	s30 =	simm.s32 $0x0;
	[bflag:$0x0] =	sbarrier.arrive $0xFFFF  }
0x24: {  	[tilespmem:s14], [sflag:$0x1] =	stream.indirect.gather [hbm4b:s7+s13], $0x40, s30, s13, $0xb8;
	[tilespmem:$0x1FB40] =	vst v63  }
0x25: {  	_ =	swait.ge [sflag:s15], $0x1F40  }
0x26: {  	[sflag:s15] =	ssyncset.done $0x0  }
0x27: {  	s31 =	simm.s32 $0x5000;
	[sflag:s15] =	ssyncadd.s32 $0xFFFFE0C0  }
0x28: {  	[spmem:s2] =	stream.indirect.scatter.add.f32 [tilespmem:s14], [sflag:$0x2], $0x40, s31, s13, $0xb8;
	[tilespmem:$0x1FB40] =	vst v63  }
0x29: {  	_ =	swait.ge [sflag:s10], $0x1F40  }
0x2a: {  	s19 =	simm.s32 $0x200;
	s20 =	simm.s32 $0x400;
	[sflag:s10] =	ssyncset.done $0x0  }
.LBB2_4:
0x2b: {  	s21 =	sshra.s32 s19, $0x2  }
0x2c: {  	[sflag:s10] =	ssyncadd.s32 $0xFFFFE0C0;
	s19 =	smov.u32 s20;
	s22 =	sadd.s32 $0x200, s20  }
0x2d: {  	[tilespmem:s14], [sflag:$0x1] =	stream.indirect.gather [hbm4b:s7+s13], $0x40, s21, s13, $0xb8;
	[tilespmem:$0x1FB40] =	vst v63  }
0x2e: {  	p0 =	sne.s32 s20, $0x13E00;
	_ =	swait.ge [sflag:s15], $0x1F40  }
.Ltmp1:
0x2f: {  	[sflag:s15] =	ssyncset.done $0x0;
	(pc) =	sbr.rel @p0 .LBB2_4-.Ltmp1, $4  }
0x30: {  	s20 =	sadd.s32 $0x5000, s21;
	[sflag:s15] =	ssyncadd.s32 $0xFFFFE0C0  }
0x31: {  	[spmem:s2] =	stream.indirect.scatter.add.f32 [tilespmem:s14], [sflag:$0x2], $0x40, s20, s13, $0xb8;
	[tilespmem:$0x1FB40] =	vst v63  }
0x32: {  	_ =	swait.ge [sflag:s10], $0x1F40  }
0x33: {  	s20 =	smov.u32 s22;
	[sflag:s10] =	ssyncset.done $0x0  }
0x34: {  	s19 =	sshra.s32 s19, $0x2;
	[sflag:s10] =	ssyncadd.s32 $0xFFFFE0C0  }
0x35: {  	[tilespmem:s14], [sflag:$0x1] =	stream.indirect.gather [hbm4b:s7+s13], $0x40, s19, s13, $0xb8;
	[tilespmem:$0x1FB40] =	vst v63  }
0x36: {  	_ =	swait.ge [sflag:s15], $0x1F40  }
0x37: {  	[sflag:s15] =	ssyncset.done $0x0  }
0x38: {  	s19 =	sadd.s32 $0x5000, s19;
	[sflag:s15] =	ssyncadd.s32 $0xFFFFE0C0  }
0x39: {  	[spmem:s2] =	stream.indirect.scatter.add.f32 [tilespmem:s14], [sflag:$0x2], $0x40, s19, s13, $0xb8;
	[tilespmem:$0x1FB40] =	vst v63  }
0x3a: {  	_ =	swait.ge [sflag:s10], $0x1F40  }
0x3b: {  	s18 =	sadd.s32 $0x1, s18;
	[sflag:s10] =	ssyncset.done $0x0  }
0x3c: {  	p0 =	sne.s32 s18, s9;
	[sflag:s10] =	ssyncadd.s32 $0xFFFFE0C0  }
.Ltmp2:
0x3d: {  	[bflag:$0x0] =	sbarrier.arrive $0xFFFF;
	(pc) =	sbr.rel @p0 .LBB2_1-.Ltmp2, $4  }
0x3e: {  	[hbm:s8], [sflag:s16] =	dma.local [spmem:s17], $0x13C0  }
0x3f: {  	_ =	swait.ge [sflag:s10], $0x13C0  }
0x40: {  	[sflag:s10] =	ssyncset.done $0x0  }
0x41: {  	[sflag:s10] =	ssyncadd.s32 $0xFFFFEC40  }
0x42: {  	_ =	sfence.sel $0x180000  }
0x43: {  	[bflag:$0x0] =	sbarrier.arrive $0xFFFF  }
0x44: {  	p0 =	sne.s32 s1, $0x0;
	_ =	strace $0x90000047  }
0x45: {  	s0 =	sadd.s32 @!p0 $0x100000, s0;
	[bflag:$0x2] =	sbarrier.arrive $0xFFFF  }
0x46: {  	[sflag:s0] =	ssyncadd.tile.s32 @!p0 $0x1;
	_ =	shalt  }
.Lfunc_end2:
_tile_overlayer_lowered:
.L_overlay_start_2:
0x47: {  	(tag) =	ssettag $0x2  }
0x48: {  	s0 =	rddreg [dreg:$0x0];
	s2 =	stileid.u32  }
0x49: {  	s1 =	rddreg [dreg:$0x1];
	p0 =	sne.s32 s2, $0x0  }
0x4a: {  	s3 =	rddreg [dreg:$0x2];
	[bflag:$0x3] =	sbarrier.arrive $0xFFFF;
	s2 =	simm.s32 @!p0 $0x1C02  }
0x4b: {  	[timem:s3], [sflag:s2] =	dma.local @!p0 [hbm:s0], s1  }
0x4c: {  	s0 =	simm.s32 @!p0 $0x2  }
0x4d: {  	_ =	swait.ge @!p0 [sflag:s0], s1  }
0x4e: {  	s1 =	ssub.s32 @!p0 $0x0, s1;
	[sflag:s0] =	ssyncset.done @!p0 $0x0  }
0x4f: {  	[sflag:s0] =	ssyncadd.s32 @!p0 s1  }
0x50: {  	[bflag:$0x3] =	sbarrier.arrive $0xFFFF  }
0x51: {  	_ =	shalt  }

</sc_bundles>
